<compile_context>
chip_gen: v7x
topology: tpu7x:2x2x1
jax: 0.10.2.dev20260603
libtpu: 0.0.44.dev20260713+nightly
codegen_flags: <defaults>
</compile_context>

<pallas_src>
import functools

import jax
import jax.numpy as jnp
from jax import lax
from jax.experimental import pallas as pl
from jax.experimental.pallas import tpu as pltpu
from jax.experimental.pallas import tpu_sc as plsc

N = 50000
E = 800000
P = 51200
D = 16
NC, NS = 2, 16
NW = NC * NS
EPW = E // NW
C = 1000
G = EPW // C
SL = P // NS
ZR = 200
R = 2000


def _mesh():
    return plsc.VectorSubcoreMesh(
        core_axis_name="c", subcore_axis_name="s", num_cores=NC, num_subcores=NS
    )


_SC_PARAMS = pltpu.CompilerParams(use_tc_tiling_on_sc=False)


def _deg_body(dst_hbm, out_hbm,
              ib0, ib1, ib2, ib3, ones_v, zb,
              si0, si1, si2, si3, ss0, ss1, accum_sh):
    c = lax.axis_index("c")
    s = lax.axis_index("s")
    ib = [ib0, ib1, ib2, ib3]
    si = [si0, si1, si2, si3]
    ss = [ss0, ss1]

    def _load(j, slot):
        pltpu.async_copy(dst_hbm.at[pl.ds(base + j * C, C)], ib[slot], si[slot])

    def _wait_load(j, slot):
        pltpu.make_async_copy(
            dst_hbm.at[pl.ds(base + j * C, C)], ib[slot], si[slot]).wait()

    def _wait_scat(slot):
        pltpu.make_async_copy(
            ones_v.at[pl.ds(0, C)], accum_sh.at[ib[0]], ss[slot]).wait()

    base = (c * NS + s) * EPW
    for b in (0, 1):
        _load(b, b)

    def fill(i, carry):
        ones_v[pl.ds(i * 16, 16)] = jnp.full((16,), 1.0, jnp.float32)
        return carry

    lax.fori_loop(0, ones_v.shape[0] // 16, fill, 0)

    def zfill(i, carry):
        zb[pl.ds(i * 16, 16)] = jnp.zeros((16,), jnp.float32)
        return carry

    lax.fori_loop(0, SL // 16, zfill, 0)
    pltpu.sync_copy(zb, accum_sh.at[pl.ds(s * SL, SL)])
    plsc.subcore_barrier()

    def quad(g, carry):
        for b in (0, 1, 2, 3):
            j = 4 * g + b
            if b < 2:

                @pl.when(g >= 1)
                def _():
                    _wait_scat(b % 2)
            else:
                _wait_scat(b % 2)
            if b == 3:

                @pl.when(g < G // 4 - 1)
                def _():
                    _load(j + 2, (b + 2) % 4)
            else:
                _load(j + 2, (b + 2) % 4)
            _wait_load(j, b)
            pltpu.async_copy(ones_v.at[pl.ds(0, C)], accum_sh.at[ib[b]],
                             ss[b % 2], add=True)
        return carry

    lax.fori_loop(0, G // 4, quad, 0)
    _wait_scat(0)
    _wait_load(G - 1, 0)
    pltpu.async_copy(ones_v.at[pl.ds(0, C)], accum_sh.at[ib[0]], ss[0],
                     add=True)
    _wait_scat(0)
    _wait_scat(1)

    plsc.subcore_barrier()
    pltpu.sync_copy(accum_sh.at[pl.ds(s * SL, SL)],
                    out_hbm.at[pl.ds(c * P + s * SL, SL)])


def _agg_body(table_hbm, src_hbm, dst_hbm, out_hbm,
              sbuf0, sbuf1, dbuf0, dbuf1, rows0, rows1, zb,
              ssrc0, ssrc1, sd0, sd1, sg0, sg1, ss0, ss1, accum_sh):
    c = lax.axis_index("c")
    s = lax.axis_index("s")
    sbuf = [sbuf0, sbuf1]
    dbuf = [dbuf0, dbuf1]
    rows = [rows0, rows1]
    ssrc = [ssrc0, ssrc1]
    sd = [sd0, sd1]
    sg = [sg0, sg1]
    ss = [ss0, ss1]
    base = (c * NS + s) * EPW

    for b in (0, 1):
        pltpu.async_copy(src_hbm.at[pl.ds(base + b * C, C)], sbuf[b], ssrc[b])

    def zfill(i, carry):
        zb[i, :] = jnp.zeros((D,), jnp.float32)
        return carry

    lax.fori_loop(0, ZR, zfill, 0)

    def zcopy(k, carry):
        pltpu.sync_copy(zb, accum_sh.at[pl.ds(s * SL + k * ZR, ZR)])
        return carry

    lax.fori_loop(0, SL // ZR, zcopy, 0)
    plsc.subcore_barrier()

    def _wait_scatter(b):
        pltpu.make_async_copy(rows[b], accum_sh.at[dbuf[b]], ss[b]).wait()

    def _wait_src(b, j):
        pltpu.make_async_copy(
            src_hbm.at[pl.ds(base + j * C, C)], sbuf[b], ssrc[b]).wait()

    def pair(g, carry):
        for b in (0, 1):
            j = 2 * g + b

            @pl.when(g >= 1)
            def _():
                _wait_scatter(b)

            _wait_src(b, j)
            gat = pltpu.async_copy(table_hbm.at[sbuf[b]], rows[b], sg[b])
            dld = pltpu.async_copy(
                dst_hbm.at[pl.ds(base + j * C, C)], dbuf[b], sd[b])
            gat.wait()
            dld.wait()
            pltpu.async_copy(rows[b], accum_sh.at[dbuf[b]], ss[b], add=True)
            if b == 0:
                pltpu.async_copy(
                    src_hbm.at[pl.ds(base + (j + 2) * C, C)], sbuf[b], ssrc[b])
            else:

                @pl.when(g < G // 2 - 1)
                def _():
                    pltpu.async_copy(
                        src_hbm.at[pl.ds(base + (j + 2) * C, C)],
                        sbuf[b], ssrc[b])
        return carry

    lax.fori_loop(0, G // 2, pair, 0)

    _wait_scatter(0)
    _wait_src(0, G - 1)
    gat = pltpu.async_copy(table_hbm.at[sbuf[0]], rows[0], sg[0])
    dld = pltpu.async_copy(
        dst_hbm.at[pl.ds(base + (G - 1) * C, C)], dbuf[0], sd[0])
    gat.wait()
    dld.wait()
    pltpu.async_copy(rows[0], accum_sh.at[dbuf[0]], ss[0], add=True)
    _wait_scatter(0)
    _wait_scatter(1)

    plsc.subcore_barrier()
    pltpu.sync_copy(accum_sh.at[pl.ds(s * SL, SL)],
                    out_hbm.at[pl.ds(c * P + s * SL, SL)])


def _deg(dst):
    k = functools.partial(
        pl.kernel,
        out_type=jax.ShapeDtypeStruct((NC * P,), jnp.float32),
        mesh=_mesh(),
        compiler_params=_SC_PARAMS,
        scratch_types=[
            pltpu.VMEM((C,), jnp.int32),
            pltpu.VMEM((C,), jnp.int32),
            pltpu.VMEM((C,), jnp.int32),
            pltpu.VMEM((C,), jnp.int32),
            pltpu.VMEM((1024,), jnp.float32),
            pltpu.VMEM((SL,), jnp.float32),
            pltpu.SemaphoreType.DMA,
            pltpu.SemaphoreType.DMA,
            pltpu.SemaphoreType.DMA,
            pltpu.SemaphoreType.DMA,
            pltpu.SemaphoreType.DMA,
            pltpu.SemaphoreType.DMA,
            pltpu.VMEM_SHARED((P,), jnp.float32),
        ],
    )(_deg_body)
    return k(dst)


def _agg(table, src, dst):
    k = functools.partial(
        pl.kernel,
        out_type=jax.ShapeDtypeStruct((NC * P, D), jnp.float32),
        mesh=_mesh(),
        compiler_params=_SC_PARAMS,
        scratch_types=[
            pltpu.VMEM((C,), jnp.int32),
            pltpu.VMEM((C,), jnp.int32),
            pltpu.VMEM((C,), jnp.int32),
            pltpu.VMEM((C,), jnp.int32),
            pltpu.VMEM((C, D), jnp.float32),
            pltpu.VMEM((C, D), jnp.float32),
            pltpu.VMEM((ZR, D), jnp.float32),
            pltpu.SemaphoreType.DMA,
            pltpu.SemaphoreType.DMA,
            pltpu.SemaphoreType.DMA,
            pltpu.SemaphoreType.DMA,
            pltpu.SemaphoreType.DMA,
            pltpu.SemaphoreType.DMA,
            pltpu.SemaphoreType.DMA,
            pltpu.SemaphoreType.DMA,
            pltpu.VMEM_SHARED((P, D), jnp.float32),
        ],
    )(_agg_body)
    return k(table, src, dst)


WR = N * D // 128
PR = P * D // 128
DO = 20


def _kd_body(dp_ref, dinv_ref):
    dinv_ref[...] = lax.rsqrt(dp_ref[0] + dp_ref[1] + 1.0)


def _kd(degp):
    return pl.pallas_call(
        _kd_body,
        grid=(1,),
        in_specs=[pl.BlockSpec((2, P // 128, 128), lambda i: (0, 0, 0))],
        out_specs=pl.BlockSpec((P // 128, 128), lambda i: (0, 0)),
        out_shape=jax.ShapeDtypeStruct((P // 128, 128), jnp.float32),
    )(degp)


def _full(shape):
    return pl.BlockSpec(shape, lambda: tuple(0 for _ in shape))


def _tc1_body(x8_ref, w_ref, dinv_ref, hs_ref):
    h = jnp.dot(x8_ref[...], w_ref[...], preferred_element_type=jnp.float32)
    hs_ref[...] = dinv_ref[...] * h


def _tc1(x8, W1big, dinv16w):
    return pl.pallas_call(
        _tc1_body,
        in_specs=[_full(x8.shape), _full(W1big.shape), _full((WR, 128))],
        out_specs=_full((WR, 128)),
        out_shape=jax.ShapeDtypeStruct((WR, 128), jnp.float32),
    )(x8, W1big, dinv16w)


def _tc2_body(aw_ref, hs_ref, dinv_ref, b_ref, out_ref):
    dinv = dinv_ref[...]
    agg = aw_ref[0, :WR] + aw_ref[1, :WR] + hs_ref[...]
    pre = dinv * agg + b_ref[...]
    out_ref[...] = dinv * jnp.maximum(pre, 0.0)


def _tc2(a1w, hs1w, dinv16w, b1w):
    return pl.pallas_call(
        _tc2_body,
        in_specs=[_full(a1w.shape), _full((WR, 128)), _full((WR, 128)),
                  _full((1, 128))],
        out_specs=_full((WR, 128)),
        out_shape=jax.ShapeDtypeStruct((WR, 128), jnp.float32),
    )(a1w, hs1w, dinv16w, b1w)


def _tc3_body(qw_ref, hs_ref, dinv_ref, w_ref, b_ref, gs_ref, out_ref):
    agg = qw_ref[0, :WR] + qw_ref[1, :WR] + hs_ref[...]
    aggv = dinv_ref[...] * agg
    o = jnp.dot(aggv, w_ref[...], preferred_element_type=jnp.float32)
    o = o + b_ref[...]
    m = jnp.max(o, axis=1, keepdims=True)
    e = jnp.exp(o - m)
    s = jnp.dot(e, gs_ref[...], preferred_element_type=jnp.float32)
    out_ref[...] = (o - m) - jnp.log(s)


def _tc3(a2w, hs2w, dinv16w, W2big, b2w, gs):
    return pl.pallas_call(
        _tc3_body,
        in_specs=[_full(a2w.shape), _full((WR, 128)), _full((WR, 128)),
                  _full(W2big.shape), _full((1, 8 * DO)), _full(gs.shape)],
        out_specs=_full((WR, 8 * DO)),
        out_shape=jax.ShapeDtypeStruct((WR, 8 * DO), jnp.float32),
    )(a2w, hs2w, dinv16w, W2big, b2w, gs)


def kernel(x, edge_index, W1, b1, W2, b2):
    ei = edge_index.astype(jnp.int32)
    src, dst = ei[0], ei[1]

    degp = _deg(dst)
    x8 = x.reshape(WR, 800)
    dinv_flat = _kd(degp.reshape(2, P // 128, 128))
    dinv16w = jnp.repeat(dinv_flat.reshape(P)[:N], D).reshape(WR, 128)

    eye8 = jnp.eye(8, dtype=jnp.float32)
    W1big = jnp.einsum("ab,ij->aibj", eye8, W1).reshape(8 * 100, 128)
    W2big = jnp.einsum("ab,ij->aibj", eye8, W2).reshape(128, 8 * DO)
    lane = jnp.arange(8 * DO)
    gs = (lane[:, None] // DO == lane[None, :] // DO).astype(jnp.float32)

    hs1w = _tc1(x8, W1big, dinv16w)
    a1 = _agg(hs1w.reshape(N, D), src, dst)
    hs2w = _tc2(a1.reshape(NC, PR, 128), hs1w, dinv16w,
                jnp.tile(b1, 8).reshape(1, 128))
    a2 = _agg(hs2w.reshape(N, D), src, dst)
    ow = _tc3(a2.reshape(NC, PR, 128), hs2w, dinv16w, W2big,
              jnp.tile(b2, 8).reshape(1, 8 * DO), gs)
    return ow.reshape(N, DO)

# --- scband reference (transcript-rebuilt; emitter-appended) ---
"""Pipeline reference for scband-gcn-64785286693080 (READ-ONLY COPY).

The authoritative reference and input builder live on the scoring server;
editing this copy changes nothing except your own understanding.
"""

import jax, jax.numpy as jnp
import numpy as np

N_NODES = 50000
N_EDGES = 800000
D_IN = 100
D_HID = 16
D_OUT = 20


def setup_inputs(seed: int = 0) -> dict:
    key = jax.random.key(seed)
    k1, k2, k3, k4 = jax.random.split(key, 4)
    x = jax.random.normal(k1, (N_NODES, D_IN), dtype=jnp.float32)
    edge_index = jax.random.randint(k2, (2, N_EDGES), 0, N_NODES, dtype=jnp.int64)
    # Glorot-style init like torch_geometric GCNConv
    W1 = jax.random.normal(k3, (D_IN, D_HID), dtype=jnp.float32) * (1.0 / np.sqrt(D_IN))
    b1 = jnp.zeros((D_HID,), dtype=jnp.float32)
    W2 = jax.random.normal(k4, (D_HID, D_OUT), dtype=jnp.float32) * (1.0 / np.sqrt(D_HID))
    b2 = jnp.zeros((D_OUT,), dtype=jnp.float32)
    return {"x": x, "edge_index": edge_index, "W1": W1, "b1": b1, "W2": W2, "b2": b2}


def _gcn_conv(x, src, dst, W, b, num_nodes):
    # x' = D^{-1/2} (A + I) D^{-1/2} (x W) + b   (GCNConv with self-loops)
    h = x @ W
    deg = jnp.zeros((num_nodes,), dtype=h.dtype).at[dst].add(1.0)
    dinv = jnp.where(deg > 0, jax.lax.rsqrt(jnp.maximum(deg, 1e-12)), 0.0)
    norm = dinv[src] * dinv[dst]
    msg = h[src] * norm[:, None]
    out = jnp.zeros((num_nodes, h.shape[1]), dtype=h.dtype).at[dst].add(msg)
    return out + b


def reference(x, edge_index, W1, b1, W2, b2):
    num_nodes = x.shape[0]
    loops = jnp.arange(num_nodes, dtype=edge_index.dtype)
    src = jnp.concatenate([edge_index[0], loops])
    dst = jnp.concatenate([edge_index[1], loops])
    h = _gcn_conv(x, src, dst, W1, b1, num_nodes)
    h = jax.nn.relu(h)
    # dropout is identity in eval mode
    h = _gcn_conv(h, src, dst, W2, b2, num_nodes)
    return jax.nn.log_softmax(h, axis=1)

if __name__ == "__main__":
    import jax
    _d = setup_inputs()
    print(jax.jit(kernel)(*tuple(_d.values())))

</pallas_src>

<mosaic_0001>
#map = affine_map<(d0, d1) -> (0, 0)>
#map1 = affine_map<(d0, d1) -> (0)>
module attributes {stable_mosaic.version = 14 : i64} {
  func.func @_agg_body(%arg0: i32, %arg1: i32, %arg2: memref<50000x16xf32, #tpu.memory_space<hbm>>, %arg3: memref<800000xi32, #tpu.memory_space<hbm>>, %arg4: memref<800000xi32, #tpu.memory_space<hbm>>, %arg5: memref<102400x16xf32, #tpu.memory_space<hbm>>, %arg6: memref<1000xi32, #tpu.memory_space<vmem>>, %arg7: memref<1000xi32, #tpu.memory_space<vmem>>, %arg8: memref<1000xi32, #tpu.memory_space<vmem>>, %arg9: memref<1000xi32, #tpu.memory_space<vmem>>, %arg10: memref<1000x16xf32, #tpu.memory_space<vmem>>, %arg11: memref<1000x16xf32, #tpu.memory_space<vmem>>, %arg12: memref<200x16xf32, #tpu.memory_space<vmem>>, %arg13: memref<!tpu.dma_semaphore, #tpu.memory_space<semaphore_mem>>, %arg14: memref<!tpu.dma_semaphore, #tpu.memory_space<semaphore_mem>>, %arg15: memref<!tpu.dma_semaphore, #tpu.memory_space<semaphore_mem>>, %arg16: memref<!tpu.dma_semaphore, #tpu.memory_space<semaphore_mem>>, %arg17: memref<!tpu.dma_semaphore, #tpu.memory_space<semaphore_mem>>, %arg18: memref<!tpu.dma_semaphore, #tpu.memory_space<semaphore_mem>>, %arg19: memref<!tpu.dma_semaphore, #tpu.memory_space<semaphore_mem>>, %arg20: memref<!tpu.dma_semaphore, #tpu.memory_space<semaphore_mem>>, %arg21: memref<51200x16xf32, #tpu.memory_space<vmem_shared>>) attributes {dimension_semantics = [#tpu.dimension_semantics<core_parallel>, #tpu.dimension_semantics<subcore_parallel>], iteration_bounds = array<i64: 2, 16>, scalar_prefetch = 0 : i64, scratch_operands = 16 : i64, tpu.core_type = #tpu.core_type<sc_vector_subcore>, window_params = [{transform_indices = #map}, {transform_indices = #map1}, {transform_indices = #map1}, {transform_indices = #map}]} {
    %mul3A = arith.constant 16 : i32
    %mul3A_0 = arith.muli %arg0, %mul3A : i32
    %add3A = arith.addi %mul3A_0, %arg1 : i32
    %mul3A_1 = arith.constant 25000 : i32
    %mul3A_2 = arith.muli %add3A, %mul3A_1 : i32
    %add3A_3 = arith.constant 0 : i32
    %add3A_4 = arith.addi %mul3A_2, %add3A_3 : i32
    %dma_start3A = tpu.memref_slice %arg3[%add3A_4] : memref<800000xi32, #tpu.memory_space<hbm>> -> memref<1000xi32, #tpu.memory_space<hbm>>
    %dma_start3A_5 = tpu.memref_slice %arg3[%add3A_4] : memref<800000xi32, #tpu.memory_space<hbm>> -> memref<1000xi32, #tpu.memory_space<hbm>>
    tpu.enqueue_dma source(%dma_start3A_5 : memref<1000xi32, #tpu.memory_space<hbm>>) target(%arg6 : memref<1000xi32, #tpu.memory_space<vmem>>) target_semaphore(%arg13 : memref<!tpu.dma_semaphore, #tpu.memory_space<semaphore_mem>>)
    %add3A_6 = arith.constant 1000 : i32
    %add3A_7 = arith.addi %mul3A_2, %add3A_6 : i32
    %dma_start3A_8 = tpu.memref_slice %arg3[%add3A_7] : memref<800000xi32, #tpu.memory_space<hbm>> -> memref<1000xi32, #tpu.memory_space<hbm>>
    %dma_start3A_9 = tpu.memref_slice %arg3[%add3A_7] : memref<800000xi32, #tpu.memory_space<hbm>> -> memref<1000xi32, #tpu.memory_space<hbm>>
    tpu.enqueue_dma source(%dma_start3A_9 : memref<1000xi32, #tpu.memory_space<hbm>>) target(%arg7 : memref<1000xi32, #tpu.memory_space<vmem>>) target_semaphore(%arg14 : memref<!tpu.dma_semaphore, #tpu.memory_space<semaphore_mem>>)
    %scan3A = arith.constant 0 : i32
    %scan3A_10 = arith.constant 0 : i32
    %scan3A_11 = arith.constant 200 : i32
    %scan3A_12 = arith.addi %scan3A_10, %scan3A_11 : i32
    %scan3A_13 = arith.constant 1 : i32
    scf.for %scan3A_62 = %scan3A_10 to %scan3A_12 step %scan3A_13  : i32 {
      %broadcast_in_dim3A = arith.constant 0.000000e+00 : f32
      %broadcast_in_dim3A_63 = vector.broadcast %broadcast_in_dim3A : f32 to vector<16xf32>
      %swap3A = arith.index_cast %scan3A_62 : i32 to index
      %swap3A_64 = arith.constant 0 : index
      %swap3A_65 = tpu.vector_load %arg12[%swap3A, %swap3A_64] {strides = array<i32>} : memref<200x16xf32, #tpu.memory_space<vmem>>, vector<1x16xf32>,
      %swap3A_66 = vector.shape_cast %swap3A_65 : vector<1x16xf32> to vector<16xf32>
      %swap3A_67 = vector.shape_cast %broadcast_in_dim3A_63 : vector<16xf32> to vector<1x16xf32>
      tpu.vector_store %arg12[%swap3A, %swap3A_64], %swap3A_67 {strides = array<i32>} : memref<200x16xf32, #tpu.memory_space<vmem>>, vector<1x16xf32>,
    }
    %scan3A_14 = arith.constant 200 : i32
    %scan3A_15 = arith.constant 0 : i32
    %scan3A_16 = arith.constant 0 : i32
    %scan3A_17 = arith.constant 16 : i32
    %scan3A_18 = arith.addi %scan3A_16, %scan3A_17 : i32
    %scan3A_19 = arith.constant 1 : i32
    scf.for %scan3A_62 = %scan3A_16 to %scan3A_18 step %scan3A_19  : i32 {
      %mul3A_63 = arith.constant 3200 : i32
      %mul3A_64 = arith.muli %arg1, %mul3A_63 : i32
      %mul3A_65 = arith.constant 200 : i32
      %mul3A_66 = arith.muli %scan3A_62, %mul3A_65 : i32
      %add3A_67 = arith.addi %mul3A_64, %mul3A_66 : i32
      "tpu.region"() ({
        %run_scoped3A = tpu.sem_alloc : memref<!tpu.dma_semaphore, #tpu.memory_space<semaphore_mem>>
        %dma_start3A_68 = arith.constant 0 : i32
        %dma_start3A_69 = tpu.memref_slice %arg21[%add3A_67, %dma_start3A_68] : memref<51200x16xf32, #tpu.memory_space<vmem_shared>> -> memref<200x16xf32, #tpu.memory_space<vmem_shared>>
        %dma_start3A_70 = arith.constant 0 : i32
        %dma_start3A_71 = tpu.memref_slice %arg21[%add3A_67, %dma_start3A_70] : memref<51200x16xf32, #tpu.memory_space<vmem_shared>> -> memref<200x16xf32, #tpu.memory_space<vmem_shared>>
        tpu.enqueue_dma source(%arg12 : memref<200x16xf32, #tpu.memory_space<vmem>>) target(%dma_start3A_71 : memref<200x16xf32, #tpu.memory_space<vmem_shared>>) target_semaphore(%run_scoped3A : memref<!tpu.dma_semaphore, #tpu.memory_space<semaphore_mem>>)
        %dma_wait3A_72 = arith.constant 0 : i32
        %dma_wait3A_73 = tpu.memref_slice %arg21[%add3A_67, %dma_wait3A_72] : memref<51200x16xf32, #tpu.memory_space<vmem_shared>> -> memref<200x16xf32, #tpu.memory_space<vmem_shared>>
        %dma_wait3A_74 = arith.constant 0 : i32
        %dma_wait3A_75 = tpu.memref_slice %arg21[%add3A_67, %dma_wait3A_74] : memref<51200x16xf32, #tpu.memory_space<vmem_shared>> -> memref<200x16xf32, #tpu.memory_space<vmem_shared>>
        tpu.wait_dma2 semaphore(%run_scoped3A : memref<!tpu.dma_semaphore, #tpu.memory_space<semaphore_mem>>) src(%arg12 : memref<200x16xf32, #tpu.memory_space<vmem>>) dst(%dma_wait3A_75 : memref<200x16xf32, #tpu.memory_space<vmem_shared>>)
        tpu.yield
      }) : () -> ()
    }
    %scan3A_20 = arith.constant 16 : i32
    %barrier3A = arith.constant 0 : index
    tpu.barrier barrier_id(%barrier3A)
    %scan3A_21 = arith.constant 0 : i32
    %scan3A_22 = arith.constant 0 : i32
    %scan3A_23 = arith.constant 12 : i32
    %scan3A_24 = arith.addi %scan3A_22, %scan3A_23 : i32
    %scan3A_25 = arith.constant 1 : i32
    scf.for %scan3A_62 = %scan3A_22 to %scan3A_24 step %scan3A_25  : i32 {
      %mul3A_63 = arith.constant 2 : i32
      %mul3A_64 = arith.muli %mul3A_63, %scan3A_62 : i32
      %add3A_65 = arith.constant 0 : i32
      %add3A_66 = arith.addi %mul3A_64, %add3A_65 : i32
      %ge3A = arith.constant 1 : i32
      %ge3A_67 = arith.cmpi sge, %scan3A_62, %ge3A : i32
      %convert_element_type3A = arith.extui %ge3A_67 : i1 to i32
      %cond3A = arith.constant 0 : i32
      %cond3A_68 = arith.cmpi ne, %convert_element_type3A, %cond3A : i32
      scf.if %cond3A_68 {
        %dma_wait3A_131 = arith.constant 0 : i32
        %dma_wait3A_132 = arith.constant 0 : i32
        %dma_wait3A_133 = tpu.memref_slice %arg21[%dma_wait3A_131, %dma_wait3A_132] : memref<51200x16xf32, #tpu.memory_space<vmem_shared>> -> memref<51200x16xf32, #tpu.memory_space<vmem_shared>>
        tpu.wait_indirect_dma semaphore(%arg19 : memref<!tpu.dma_semaphore, #tpu.memory_space<semaphore_mem>>) src(%arg10 : memref<1000x16xf32, #tpu.memory_space<vmem>>) dst(%dma_wait3A_133 : memref<51200x16xf32, #tpu.memory_space<vmem_shared>>)
      } else {
      }
      %mul3A_69 = arith.constant 1000 : i32
      %mul3A_70 = arith.muli %add3A_66, %mul3A_69 : i32
      %add3A_71 = arith.addi %mul3A_2, %mul3A_70 : i32
      %dma_wait3A_72 = tpu.memref_slice %arg3[%add3A_71] : memref<800000xi32, #tpu.memory_space<hbm>> -> memref<1000xi32, #tpu.memory_space<hbm>>
      %dma_wait3A_73 = tpu.memref_slice %arg3[%add3A_71] : memref<800000xi32, #tpu.memory_space<hbm>> -> memref<1000xi32, #tpu.memory_space<hbm>>
      tpu.wait_dma2 semaphore(%arg13 : memref<!tpu.dma_semaphore, #tpu.memory_space<semaphore_mem>>) src(%dma_wait3A_73 : memref<1000xi32, #tpu.memory_space<hbm>>) dst(%arg6 : memref<1000xi32, #tpu.memory_space<vmem>>)
      %dma_start3A_74 = arith.constant 0 : i32
      %dma_start3A_75 = arith.constant 0 : i32
      %dma_start3A_76 = tpu.memref_slice %arg2[%dma_start3A_74, %dma_start3A_75] : memref<50000x16xf32, #tpu.memory_space<hbm>> -> memref<50000x16xf32, #tpu.memory_space<hbm>>
      tpu.enqueue_indirect_dma source(%dma_start3A_76 : memref<50000x16xf32, #tpu.memory_space<hbm>>) target(%arg10 : memref<1000x16xf32, #tpu.memory_space<vmem>>) offsets(%arg6 : memref<1000xi32, #tpu.memory_space<vmem>>) semaphore(%arg17 : memref<!tpu.dma_semaphore, #tpu.memory_space<semaphore_mem>>)
      %mul3A_77 = arith.constant 1000 : i32
      %mul3A_78 = arith.muli %add3A_66, %mul3A_77 : i32
      %add3A_79 = arith.addi %mul3A_2, %mul3A_78 : i32
      %dma_start3A_80 = tpu.memref_slice %arg4[%add3A_79] : memref<800000xi32, #tpu.memory_space<hbm>> -> memref<1000xi32, #tpu.memory_space<hbm>>
      %dma_start3A_81 = tpu.memref_slice %arg4[%add3A_79] : memref<800000xi32, #tpu.memory_space<hbm>> -> memref<1000xi32, #tpu.memory_space<hbm>>
      tpu.enqueue_dma source(%dma_start3A_81 : memref<1000xi32, #tpu.memory_space<hbm>>) target(%arg8 : memref<1000xi32, #tpu.memory_space<vmem>>) target_semaphore(%arg15 : memref<!tpu.dma_semaphore, #tpu.memory_space<semaphore_mem>>)
      %dma_wait3A_82 = arith.constant 0 : i32
      %dma_wait3A_83 = arith.constant 0 : i32
      %dma_wait3A_84 = tpu.memref_slice %arg2[%dma_wait3A_82, %dma_wait3A_83] : memref<50000x16xf32, #tpu.memory_space<hbm>> -> memref<50000x16xf32, #tpu.memory_space<hbm>>
      tpu.wait_indirect_dma semaphore(%arg17 : memref<!tpu.dma_semaphore, #tpu.memory_space<semaphore_mem>>) src(%dma_wait3A_84 : memref<50000x16xf32, #tpu.memory_space<hbm>>) dst(%arg10 : memref<1000x16xf32, #tpu.memory_space<vmem>>)
      %dma_wait3A_85 = tpu.memref_slice %arg4[%add3A_79] : memref<800000xi32, #tpu.memory_space<hbm>> -> memref<1000xi32, #tpu.memory_space<hbm>>
      %dma_wait3A_86 = tpu.memref_slice %arg4[%add3A_79] : memref<800000xi32, #tpu.memory_space<hbm>> -> memref<1000xi32, #tpu.memory_space<hbm>>
      tpu.wait_dma2 semaphore(%arg15 : memref<!tpu.dma_semaphore, #tpu.memory_space<semaphore_mem>>) src(%dma_wait3A_86 : memref<1000xi32, #tpu.memory_space<hbm>>) dst(%arg8 : memref<1000xi32, #tpu.memory_space<vmem>>)
      %dma_start3A_87 = arith.constant 0 : i32
      %dma_start3A_88 = arith.constant 0 : i32
      %dma_start3A_89 = tpu.memref_slice %arg21[%dma_start3A_87, %dma_start3A_88] : memref<51200x16xf32, #tpu.memory_space<vmem_shared>> -> memref<51200x16xf32, #tpu.memory_space<vmem_shared>>
      tpu.enqueue_indirect_dma source(%arg10 : memref<1000x16xf32, #tpu.memory_space<vmem>>) target(%dma_start3A_89 : memref<51200x16xf32, #tpu.memory_space<vmem_shared>>) offsets(%arg8 : memref<1000xi32, #tpu.memory_space<vmem>>) semaphore(%arg19 : memref<!tpu.dma_semaphore, #tpu.memory_space<semaphore_mem>>) {add = true}
      %add3A_90 = arith.constant 2 : i32
      %add3A_91 = arith.addi %add3A_66, %add3A_90 : i32
      %mul3A_92 = arith.constant 1000 : i32
      %mul3A_93 = arith.muli %add3A_91, %mul3A_92 : i32
      %add3A_94 = arith.addi %mul3A_2, %mul3A_93 : i32
      %dma_start3A_95 = tpu.memref_slice %arg3[%add3A_94] : memref<800000xi32, #tpu.memory_space<hbm>> -> memref<1000xi32, #tpu.memory_space<hbm>>
      %dma_start3A_96 = tpu.memref_slice %arg3[%add3A_94] : memref<800000xi32, #tpu.memory_space<hbm>> -> memref<1000xi32, #tpu.memory_space<hbm>>
      tpu.enqueue_dma source(%dma_start3A_96 : memref<1000xi32, #tpu.memory_space<hbm>>) target(%arg6 : memref<1000xi32, #tpu.memory_space<vmem>>) target_semaphore(%arg13 : memref<!tpu.dma_semaphore, #tpu.memory_space<semaphore_mem>>)
      %mul3A_97 = arith.constant 2 : i32
      %mul3A_98 = arith.muli %mul3A_97, %scan3A_62 : i32
      %add3A_99 = arith.constant 1 : i32
      %add3A_100 = arith.addi %mul3A_98, %add3A_99 : i32
      %ge3A_101 = arith.constant 1 : i32
      %ge3A_102 = arith.cmpi sge, %scan3A_62, %ge3A_101 : i32
      %convert_element_type3A_103 = arith.extui %ge3A_102 : i1 to i32
      %cond3A_104 = arith.constant 0 : i32
      %cond3A_105 = arith.cmpi ne, %convert_element_type3A_103, %cond3A_104 : i32
      scf.if %cond3A_105 {
        %dma_wait3A_131 = arith.constant 0 : i32
        %dma_wait3A_132 = arith.constant 0 : i32
        %dma_wait3A_133 = tpu.memref_slice %arg21[%dma_wait3A_131, %dma_wait3A_132] : memref<51200x16xf32, #tpu.memory_space<vmem_shared>> -> memref<51200x16xf32, #tpu.memory_space<vmem_shared>>
        tpu.wait_indirect_dma semaphore(%arg20 : memref<!tpu.dma_semaphore, #tpu.memory_space<semaphore_mem>>) src(%arg11 : memref<1000x16xf32, #tpu.memory_space<vmem>>) dst(%dma_wait3A_133 : memref<51200x16xf32, #tpu.memory_space<vmem_shared>>)
      } else {
      }
      %mul3A_106 = arith.constant 1000 : i32
      %mul3A_107 = arith.muli %add3A_100, %mul3A_106 : i32
      %add3A_108 = arith.addi %mul3A_2, %mul3A_107 : i32
      %dma_wait3A_109 = tpu.memref_slice %arg3[%add3A_108] : memref<800000xi32, #tpu.memory_space<hbm>> -> memref<1000xi32, #tpu.memory_space<hbm>>
      %dma_wait3A_110 = tpu.memref_slice %arg3[%add3A_108] : memref<800000xi32, #tpu.memory_space<hbm>> -> memref<1000xi32, #tpu.memory_space<hbm>>
      tpu.wait_dma2 semaphore(%arg14 : memref<!tpu.dma_semaphore, #tpu.memory_space<semaphore_mem>>) src(%dma_wait3A_110 : memref<1000xi32, #tpu.memory_space<hbm>>) dst(%arg7 : memref<1000xi32, #tpu.memory_space<vmem>>)
      %dma_start3A_111 = arith.constant 0 : i32
      %dma_start3A_112 = arith.constant 0 : i32
      %dma_start3A_113 = tpu.memref_slice %arg2[%dma_start3A_111, %dma_start3A_112] : memref<50000x16xf32, #tpu.memory_space<hbm>> -> memref<50000x16xf32, #tpu.memory_space<hbm>>
      tpu.enqueue_indirect_dma source(%dma_start3A_113 : memref<50000x16xf32, #tpu.memory_space<hbm>>) target(%arg11 : memref<1000x16xf32, #tpu.memory_space<vmem>>) offsets(%arg7 : memref<1000xi32, #tpu.memory_space<vmem>>) semaphore(%arg18 : memref<!tpu.dma_semaphore, #tpu.memory_space<semaphore_mem>>)
      %mul3A_114 = arith.constant 1000 : i32
      %mul3A_115 = arith.muli %add3A_100, %mul3A_114 : i32
      %add3A_116 = arith.addi %mul3A_2, %mul3A_115 : i32
      %dma_start3A_117 = tpu.memref_slice %arg4[%add3A_116] : memref<800000xi32, #tpu.memory_space<hbm>> -> memref<1000xi32, #tpu.memory_space<hbm>>
      %dma_start3A_118 = tpu.memref_slice %arg4[%add3A_116] : memref<800000xi32, #tpu.memory_space<hbm>> -> memref<1000xi32, #tpu.memory_space<hbm>>
      tpu.enqueue_dma source(%dma_start3A_118 : memref<1000xi32, #tpu.memory_space<hbm>>) target(%arg9 : memref<1000xi32, #tpu.memory_space<vmem>>) target_semaphore(%arg16 : memref<!tpu.dma_semaphore, #tpu.memory_space<semaphore_mem>>)
      %dma_wait3A_119 = arith.constant 0 : i32
      %dma_wait3A_120 = arith.constant 0 : i32
      %dma_wait3A_121 = tpu.memref_slice %arg2[%dma_wait3A_119, %dma_wait3A_120] : memref<50000x16xf32, #tpu.memory_space<hbm>> -> memref<50000x16xf32, #tpu.memory_space<hbm>>
      tpu.wait_indirect_dma semaphore(%arg18 : memref<!tpu.dma_semaphore, #tpu.memory_space<semaphore_mem>>) src(%dma_wait3A_121 : memref<50000x16xf32, #tpu.memory_space<hbm>>) dst(%arg11 : memref<1000x16xf32, #tpu.memory_space<vmem>>)
      %dma_wait3A_122 = tpu.memref_slice %arg4[%add3A_116] : memref<800000xi32, #tpu.memory_space<hbm>> -> memref<1000xi32, #tpu.memory_space<hbm>>
      %dma_wait3A_123 = tpu.memref_slice %arg4[%add3A_116] : memref<800000xi32, #tpu.memory_space<hbm>> -> memref<1000xi32, #tpu.memory_space<hbm>>
      tpu.wait_dma2 semaphore(%arg16 : memref<!tpu.dma_semaphore, #tpu.memory_space<semaphore_mem>>) src(%dma_wait3A_123 : memref<1000xi32, #tpu.memory_space<hbm>>) dst(%arg9 : memref<1000xi32, #tpu.memory_space<vmem>>)
      %dma_start3A_124 = arith.constant 0 : i32
      %dma_start3A_125 = arith.constant 0 : i32
      %dma_start3A_126 = tpu.memref_slice %arg21[%dma_start3A_124, %dma_start3A_125] : memref<51200x16xf32, #tpu.memory_space<vmem_shared>> -> memref<51200x16xf32, #tpu.memory_space<vmem_shared>>
      tpu.enqueue_indirect_dma source(%arg11 : memref<1000x16xf32, #tpu.memory_space<vmem>>) target(%dma_start3A_126 : memref<51200x16xf32, #tpu.memory_space<vmem_shared>>) offsets(%arg9 : memref<1000xi32, #tpu.memory_space<vmem>>) semaphore(%arg20 : memref<!tpu.dma_semaphore, #tpu.memory_space<semaphore_mem>>) {add = true}
      %lt3A = arith.constant 11 : i32
      %lt3A_127 = arith.cmpi slt, %scan3A_62, %lt3A : i32
      %convert_element_type3A_128 = arith.extui %lt3A_127 : i1 to i32
      %cond3A_129 = arith.constant 0 : i32
      %cond3A_130 = arith.cmpi ne, %convert_element_type3A_128, %cond3A_129 : i32
      scf.if %cond3A_130 {
        %add3A_131 = arith.constant 2 : i32
        %add3A_132 = arith.addi %add3A_100, %add3A_131 : i32
        %mul3A_133 = arith.constant 1000 : i32
        %mul3A_134 = arith.muli %add3A_132, %mul3A_133 : i32
        %add3A_135 = arith.addi %mul3A_2, %mul3A_134 : i32
        %dma_start3A_136 = tpu.memref_slice %arg3[%add3A_135] : memref<800000xi32, #tpu.memory_space<hbm>> -> memref<1000xi32, #tpu.memory_space<hbm>>
        %dma_start3A_137 = tpu.memref_slice %arg3[%add3A_135] : memref<800000xi32, #tpu.memory_space<hbm>> -> memref<1000xi32, #tpu.memory_space<hbm>>
        tpu.enqueue_dma source(%dma_start3A_137 : memref<1000xi32, #tpu.memory_space<hbm>>) target(%arg7 : memref<1000xi32, #tpu.memory_space<vmem>>) target_semaphore(%arg14 : memref<!tpu.dma_semaphore, #tpu.memory_space<semaphore_mem>>)
      } else {
      }
    }
    %scan3A_26 = arith.constant 12 : i32
    %dma_wait3A = arith.constant 0 : i32
    %dma_wait3A_27 = arith.constant 0 : i32
    %dma_wait3A_28 = tpu.memref_slice %arg21[%dma_wait3A, %dma_wait3A_27] : memref<51200x16xf32, #tpu.memory_space<vmem_shared>> -> memref<51200x16xf32, #tpu.memory_space<vmem_shared>>
    tpu.wait_indirect_dma semaphore(%arg19 : memref<!tpu.dma_semaphore, #tpu.memory_space<semaphore_mem>>) src(%arg10 : memref<1000x16xf32, #tpu.memory_space<vmem>>) dst(%dma_wait3A_28 : memref<51200x16xf32, #tpu.memory_space<vmem_shared>>)
    %add3A_29 = arith.constant 24000 : i32
    %add3A_30 = arith.addi %mul3A_2, %add3A_29 : i32
    %dma_wait3A_31 = tpu.memref_slice %arg3[%add3A_30] : memref<800000xi32, #tpu.memory_space<hbm>> -> memref<1000xi32, #tpu.memory_space<hbm>>
    %dma_wait3A_32 = tpu.memref_slice %arg3[%add3A_30] : memref<800000xi32, #tpu.memory_space<hbm>> -> memref<1000xi32, #tpu.memory_space<hbm>>
    tpu.wait_dma2 semaphore(%arg13 : memref<!tpu.dma_semaphore, #tpu.memory_space<semaphore_mem>>) src(%dma_wait3A_32 : memref<1000xi32, #tpu.memory_space<hbm>>) dst(%arg6 : memref<1000xi32, #tpu.memory_space<vmem>>)
    %dma_start3A_33 = arith.constant 0 : i32
    %dma_start3A_34 = arith.constant 0 : i32
    %dma_start3A_35 = tpu.memref_slice %arg2[%dma_start3A_33, %dma_start3A_34] : memref<50000x16xf32, #tpu.memory_space<hbm>> -> memref<50000x16xf32, #tpu.memory_space<hbm>>
    tpu.enqueue_indirect_dma source(%dma_start3A_35 : memref<50000x16xf32, #tpu.memory_space<hbm>>) target(%arg10 : memref<1000x16xf32, #tpu.memory_space<vmem>>) offsets(%arg6 : memref<1000xi32, #tpu.memory_space<vmem>>) semaphore(%arg17 : memref<!tpu.dma_semaphore, #tpu.memory_space<semaphore_mem>>)
    %add3A_36 = arith.constant 24000 : i32
    %add3A_37 = arith.addi %mul3A_2, %add3A_36 : i32
    %dma_start3A_38 = tpu.memref_slice %arg4[%add3A_37] : memref<800000xi32, #tpu.memory_space<hbm>> -> memref<1000xi32, #tpu.memory_space<hbm>>
    %dma_start3A_39 = tpu.memref_slice %arg4[%add3A_37] : memref<800000xi32, #tpu.memory_space<hbm>> -> memref<1000xi32, #tpu.memory_space<hbm>>
    tpu.enqueue_dma source(%dma_start3A_39 : memref<1000xi32, #tpu.memory_space<hbm>>) target(%arg8 : memref<1000xi32, #tpu.memory_space<vmem>>) target_semaphore(%arg15 : memref<!tpu.dma_semaphore, #tpu.memory_space<semaphore_mem>>)
    %dma_wait3A_40 = arith.constant 0 : i32
    %dma_wait3A_41 = arith.constant 0 : i32
    %dma_wait3A_42 = tpu.memref_slice %arg2[%dma_wait3A_40, %dma_wait3A_41] : memref<50000x16xf32, #tpu.memory_space<hbm>> -> memref<50000x16xf32, #tpu.memory_space<hbm>>
    tpu.wait_indirect_dma semaphore(%arg17 : memref<!tpu.dma_semaphore, #tpu.memory_space<semaphore_mem>>) src(%dma_wait3A_42 : memref<50000x16xf32, #tpu.memory_space<hbm>>) dst(%arg10 : memref<1000x16xf32, #tpu.memory_space<vmem>>)
    %dma_wait3A_43 = tpu.memref_slice %arg4[%add3A_37] : memref<800000xi32, #tpu.memory_space<hbm>> -> memref<1000xi32, #tpu.memory_space<hbm>>
    %dma_wait3A_44 = tpu.memref_slice %arg4[%add3A_37] : memref<800000xi32, #tpu.memory_space<hbm>> -> memref<1000xi32, #tpu.memory_space<hbm>>
    tpu.wait_dma2 semaphore(%arg15 : memref<!tpu.dma_semaphore, #tpu.memory_space<semaphore_mem>>) src(%dma_wait3A_44 : memref<1000xi32, #tpu.memory_space<hbm>>) dst(%arg8 : memref<1000xi32, #tpu.memory_space<vmem>>)
    %dma_start3A_45 = arith.constant 0 : i32
    %dma_start3A_46 = arith.constant 0 : i32
    %dma_start3A_47 = tpu.memref_slice %arg21[%dma_start3A_45, %dma_start3A_46] : memref<51200x16xf32, #tpu.memory_space<vmem_shared>> -> memref<51200x16xf32, #tpu.memory_space<vmem_shared>>
    tpu.enqueue_indirect_dma source(%arg10 : memref<1000x16xf32, #tpu.memory_space<vmem>>) target(%dma_start3A_47 : memref<51200x16xf32, #tpu.memory_space<vmem_shared>>) offsets(%arg8 : memref<1000xi32, #tpu.memory_space<vmem>>) semaphore(%arg19 : memref<!tpu.dma_semaphore, #tpu.memory_space<semaphore_mem>>) {add = true}
    %dma_wait3A_48 = arith.constant 0 : i32
    %dma_wait3A_49 = arith.constant 0 : i32
    %dma_wait3A_50 = tpu.memref_slice %arg21[%dma_wait3A_48, %dma_wait3A_49] : memref<51200x16xf32, #tpu.memory_space<vmem_shared>> -> memref<51200x16xf32, #tpu.memory_space<vmem_shared>>
    tpu.wait_indirect_dma semaphore(%arg19 : memref<!tpu.dma_semaphore, #tpu.memory_space<semaphore_mem>>) src(%arg10 : memref<1000x16xf32, #tpu.memory_space<vmem>>) dst(%dma_wait3A_50 : memref<51200x16xf32, #tpu.memory_space<vmem_shared>>)
    %dma_wait3A_51 = arith.constant 0 : i32
    %dma_wait3A_52 = arith.constant 0 : i32
    %dma_wait3A_53 = tpu.memref_slice %arg21[%dma_wait3A_51, %dma_wait3A_52] : memref<51200x16xf32, #tpu.memory_space<vmem_shared>> -> memref<51200x16xf32, #tpu.memory_space<vmem_shared>>
    tpu.wait_indirect_dma semaphore(%arg20 : memref<!tpu.dma_semaphore, #tpu.memory_space<semaphore_mem>>) src(%arg11 : memref<1000x16xf32, #tpu.memory_space<vmem>>) dst(%dma_wait3A_53 : memref<51200x16xf32, #tpu.memory_space<vmem_shared>>)
    %barrier3A_54 = arith.constant 0 : index
    tpu.barrier barrier_id(%barrier3A_54)
    %mul3A_55 = arith.constant 3200 : i32
    %mul3A_56 = arith.muli %arg1, %mul3A_55 : i32
    %mul3A_57 = arith.constant 51200 : i32
    %mul3A_58 = arith.muli %arg0, %mul3A_57 : i32
    %mul3A_59 = arith.constant 3200 : i32
    %mul3A_60 = arith.muli %arg1, %mul3A_59 : i32
    %add3A_61 = arith.addi %mul3A_58, %mul3A_60 : i32
    "tpu.region"() ({
      %run_scoped3A = tpu.sem_alloc : memref<!tpu.dma_semaphore, #tpu.memory_space<semaphore_mem>>
      %dma_start3A_62 = arith.constant 0 : i32
      %dma_start3A_63 = tpu.memref_slice %arg5[%add3A_61, %dma_start3A_62] : memref<102400x16xf32, #tpu.memory_space<hbm>> -> memref<3200x16xf32, #tpu.memory_space<hbm>>
      %dma_start3A_64 = arith.constant 0 : i32
      %dma_start3A_65 = tpu.memref_slice %arg21[%mul3A_56, %dma_start3A_64] : memref<51200x16xf32, #tpu.memory_space<vmem_shared>> -> memref<3200x16xf32, #tpu.memory_space<vmem_shared>>
      tpu.enqueue_dma source(%dma_start3A_65 : memref<3200x16xf32, #tpu.memory_space<vmem_shared>>) target(%dma_start3A_63 : memref<3200x16xf32, #tpu.memory_space<hbm>>) target_semaphore(%run_scoped3A : memref<!tpu.dma_semaphore, #tpu.memory_space<semaphore_mem>>)
      %dma_wait3A_66 = arith.constant 0 : i32
      %dma_wait3A_67 = tpu.memref_slice %arg5[%add3A_61, %dma_wait3A_66] : memref<102400x16xf32, #tpu.memory_space<hbm>> -> memref<3200x16xf32, #tpu.memory_space<hbm>>
      %dma_wait3A_68 = arith.constant 0 : i32
      %dma_wait3A_69 = tpu.memref_slice %arg21[%mul3A_56, %dma_wait3A_68] : memref<51200x16xf32, #tpu.memory_space<vmem_shared>> -> memref<3200x16xf32, #tpu.memory_space<vmem_shared>>
      tpu.wait_dma2 semaphore(%run_scoped3A : memref<!tpu.dma_semaphore, #tpu.memory_space<semaphore_mem>>) src(%dma_wait3A_69 : memref<3200x16xf32, #tpu.memory_space<vmem_shared>>) dst(%dma_wait3A_67 : memref<3200x16xf32, #tpu.memory_space<hbm>>)
      tpu.yield
    }) : () -> ()
    return
  }
}

#map = affine_map<(d0, d1) -> (0)>
module attributes {stable_mosaic.version = 14 : i64} {
  func.func @_deg_body(%arg0: i32, %arg1: i32, %arg2: memref<800000xi32, #tpu.memory_space<hbm>>, %arg3: memref<102400xf32, #tpu.memory_space<hbm>>, %arg4: memref<1000xi32, #tpu.memory_space<vmem>>, %arg5: memref<1000xi32, #tpu.memory_space<vmem>>, %arg6: memref<1000xi32, #tpu.memory_space<vmem>>, %arg7: memref<1000xi32, #tpu.memory_space<vmem>>, %arg8: memref<1024xf32, #tpu.memory_space<vmem>>, %arg9: memref<3200xf32, #tpu.memory_space<vmem>>, %arg10: memref<!tpu.dma_semaphore, #tpu.memory_space<semaphore_mem>>, %arg11: memref<!tpu.dma_semaphore, #tpu.memory_space<semaphore_mem>>, %arg12: memref<!tpu.dma_semaphore, #tpu.memory_space<semaphore_mem>>, %arg13: memref<!tpu.dma_semaphore, #tpu.memory_space<semaphore_mem>>, %arg14: memref<!tpu.dma_semaphore, #tpu.memory_space<semaphore_mem>>, %arg15: memref<!tpu.dma_semaphore, #tpu.memory_space<semaphore_mem>>, %arg16: memref<51200xf32, #tpu.memory_space<vmem_shared>>) attributes {dimension_semantics = [#tpu.dimension_semantics<core_parallel>, #tpu.dimension_semantics<subcore_parallel>], iteration_bounds = array<i64: 2, 16>, scalar_prefetch = 0 : i64, scratch_operands = 13 : i64, tpu.core_type = #tpu.core_type<sc_vector_subcore>, window_params = [{transform_indices = #map}, {transform_indices = #map}]} {
    %mul3A = arith.constant 16 : i32
    %mul3A_0 = arith.muli %arg0, %mul3A : i32
    %add3A = arith.addi %mul3A_0, %arg1 : i32
    %mul3A_1 = arith.constant 25000 : i32
    %mul3A_2 = arith.muli %add3A, %mul3A_1 : i32
    %add3A_3 = arith.constant 0 : i32
    %add3A_4 = arith.addi %mul3A_2, %add3A_3 : i32
    %dma_start3A = tpu.memref_slice %arg2[%add3A_4] : memref<800000xi32, #tpu.memory_space<hbm>> -> memref<1000xi32, #tpu.memory_space<hbm>>
    %dma_start3A_5 = tpu.memref_slice %arg2[%add3A_4] : memref<800000xi32, #tpu.memory_space<hbm>> -> memref<1000xi32, #tpu.memory_space<hbm>>
    tpu.enqueue_dma source(%dma_start3A_5 : memref<1000xi32, #tpu.memory_space<hbm>>) target(%arg4 : memref<1000xi32, #tpu.memory_space<vmem>>) target_semaphore(%arg10 : memref<!tpu.dma_semaphore, #tpu.memory_space<semaphore_mem>>)
    %add3A_6 = arith.constant 1000 : i32
    %add3A_7 = arith.addi %mul3A_2, %add3A_6 : i32
    %dma_start3A_8 = tpu.memref_slice %arg2[%add3A_7] : memref<800000xi32, #tpu.memory_space<hbm>> -> memref<1000xi32, #tpu.memory_space<hbm>>
    %dma_start3A_9 = tpu.memref_slice %arg2[%add3A_7] : memref<800000xi32, #tpu.memory_space<hbm>> -> memref<1000xi32, #tpu.memory_space<hbm>>
    tpu.enqueue_dma source(%dma_start3A_9 : memref<1000xi32, #tpu.memory_space<hbm>>) target(%arg5 : memref<1000xi32, #tpu.memory_space<vmem>>) target_semaphore(%arg11 : memref<!tpu.dma_semaphore, #tpu.memory_space<semaphore_mem>>)
    %scan3A = arith.constant 0 : i32
    %scan3A_10 = arith.constant 0 : i32
    %scan3A_11 = arith.constant 64 : i32
    %scan3A_12 = arith.addi %scan3A_10, %scan3A_11 : i32
    %scan3A_13 = arith.constant 1 : i32
    scf.for %scan3A_56 = %scan3A_10 to %scan3A_12 step %scan3A_13  : i32 {
      %broadcast_in_dim3A = arith.constant 1.000000e+00 : f32
      %broadcast_in_dim3A_57 = vector.broadcast %broadcast_in_dim3A : f32 to vector<16xf32>
      %mul3A_58 = arith.constant 16 : i32
      %mul3A_59 = arith.muli %scan3A_56, %mul3A_58 : i32
      %swap3A = arith.index_cast %mul3A_59 : i32 to index
      %swap3A_60 = tpu.vector_load %arg8[%swap3A] {strides = array<i32>} : memref<1024xf32, #tpu.memory_space<vmem>>, vector<16xf32>,
      %swap3A_61 = vector.shape_cast %swap3A_60 : vector<16xf32> to vector<16xf32>
      %swap3A_62 = vector.shape_cast %broadcast_in_dim3A_57 : vector<16xf32> to vector<16xf32>
      tpu.vector_store %arg8[%swap3A], %swap3A_62 {strides = array<i32>} : memref<1024xf32, #tpu.memory_space<vmem>>, vector<16xf32>,
    }
    %scan3A_14 = arith.constant 64 : i32
    %scan3A_15 = arith.constant 0 : i32
    %scan3A_16 = arith.constant 0 : i32
    %scan3A_17 = arith.constant 200 : i32
    %scan3A_18 = arith.addi %scan3A_16, %scan3A_17 : i32
    %scan3A_19 = arith.constant 1 : i32
    scf.for %scan3A_56 = %scan3A_16 to %scan3A_18 step %scan3A_19  : i32 {
      %broadcast_in_dim3A = arith.constant 0.000000e+00 : f32
      %broadcast_in_dim3A_57 = vector.broadcast %broadcast_in_dim3A : f32 to vector<16xf32>
      %mul3A_58 = arith.constant 16 : i32
      %mul3A_59 = arith.muli %scan3A_56, %mul3A_58 : i32
      %swap3A = arith.index_cast %mul3A_59 : i32 to index
      %swap3A_60 = tpu.vector_load %arg9[%swap3A] {strides = array<i32>} : memref<3200xf32, #tpu.memory_space<vmem>>, vector<16xf32>,
      %swap3A_61 = vector.shape_cast %swap3A_60 : vector<16xf32> to vector<16xf32>
      %swap3A_62 = vector.shape_cast %broadcast_in_dim3A_57 : vector<16xf32> to vector<16xf32>
      tpu.vector_store %arg9[%swap3A], %swap3A_62 {strides = array<i32>} : memref<3200xf32, #tpu.memory_space<vmem>>, vector<16xf32>,
    }
    %scan3A_20 = arith.constant 200 : i32
    %mul3A_21 = arith.constant 3200 : i32
    %mul3A_22 = arith.muli %arg1, %mul3A_21 : i32
    "tpu.region"() ({
      %run_scoped3A = tpu.sem_alloc : memref<!tpu.dma_semaphore, #tpu.memory_space<semaphore_mem>>
      %dma_start3A_56 = tpu.memref_slice %arg16[%mul3A_22] : memref<51200xf32, #tpu.memory_space<vmem_shared>> -> memref<3200xf32, #tpu.memory_space<vmem_shared>>
      %dma_start3A_57 = tpu.memref_slice %arg16[%mul3A_22] : memref<51200xf32, #tpu.memory_space<vmem_shared>> -> memref<3200xf32, #tpu.memory_space<vmem_shared>>
      tpu.enqueue_dma source(%arg9 : memref<3200xf32, #tpu.memory_space<vmem>>) target(%dma_start3A_57 : memref<3200xf32, #tpu.memory_space<vmem_shared>>) target_semaphore(%run_scoped3A : memref<!tpu.dma_semaphore, #tpu.memory_space<semaphore_mem>>)
      %dma_wait3A_58 = tpu.memref_slice %arg16[%mul3A_22] : memref<51200xf32, #tpu.memory_space<vmem_shared>> -> memref<3200xf32, #tpu.memory_space<vmem_shared>>
      %dma_wait3A_59 = tpu.memref_slice %arg16[%mul3A_22] : memref<51200xf32, #tpu.memory_space<vmem_shared>> -> memref<3200xf32, #tpu.memory_space<vmem_shared>>
      tpu.wait_dma2 semaphore(%run_scoped3A : memref<!tpu.dma_semaphore, #tpu.memory_space<semaphore_mem>>) src(%arg9 : memref<3200xf32, #tpu.memory_space<vmem>>) dst(%dma_wait3A_59 : memref<3200xf32, #tpu.memory_space<vmem_shared>>)
      tpu.yield
    }) : () -> ()
    %barrier3A = arith.constant 0 : index
    tpu.barrier barrier_id(%barrier3A)
    %scan3A_23 = arith.constant 0 : i32
    %scan3A_24 = arith.constant 0 : i32
    %scan3A_25 = arith.constant 6 : i32
    %scan3A_26 = arith.addi %scan3A_24, %scan3A_25 : i32
    %scan3A_27 = arith.constant 1 : i32
    scf.for %scan3A_56 = %scan3A_24 to %scan3A_26 step %scan3A_27  : i32 {
      %mul3A_57 = arith.constant 4 : i32
      %mul3A_58 = arith.muli %mul3A_57, %scan3A_56 : i32
      %add3A_59 = arith.constant 0 : i32
      %add3A_60 = arith.addi %mul3A_58, %add3A_59 : i32
      %ge3A = arith.constant 1 : i32
      %ge3A_61 = arith.cmpi sge, %scan3A_56, %ge3A : i32
      %convert_element_type3A = arith.extui %ge3A_61 : i1 to i32
      %cond3A = arith.constant 0 : i32
      %cond3A_62 = arith.cmpi ne, %convert_element_type3A, %cond3A : i32
      scf.if %cond3A_62 {
        %dma_wait3A_149 = arith.constant 0 : i32
        %dma_wait3A_150 = tpu.memref_slice %arg8[%dma_wait3A_149] : memref<1024xf32, #tpu.memory_space<vmem>> -> memref<1000xf32, #tpu.memory_space<vmem>>
        %dma_wait3A_151 = arith.constant 0 : i32
        %dma_wait3A_152 = tpu.memref_slice %arg16[%dma_wait3A_151] : memref<51200xf32, #tpu.memory_space<vmem_shared>> -> memref<51200xf32, #tpu.memory_space<vmem_shared>>
        tpu.wait_indirect_dma semaphore(%arg14 : memref<!tpu.dma_semaphore, #tpu.memory_space<semaphore_mem>>) src(%dma_wait3A_150 : memref<1000xf32, #tpu.memory_space<vmem>>) dst(%dma_wait3A_152 : memref<51200xf32, #tpu.memory_space<vmem_shared>>)
      } else {
      }
      %add3A_63 = arith.constant 2 : i32
      %add3A_64 = arith.addi %add3A_60, %add3A_63 : i32
      %mul3A_65 = arith.constant 1000 : i32
      %mul3A_66 = arith.muli %add3A_64, %mul3A_65 : i32
      %add3A_67 = arith.addi %mul3A_2, %mul3A_66 : i32
      %dma_start3A_68 = tpu.memref_slice %arg2[%add3A_67] : memref<800000xi32, #tpu.memory_space<hbm>> -> memref<1000xi32, #tpu.memory_space<hbm>>
      %dma_start3A_69 = tpu.memref_slice %arg2[%add3A_67] : memref<800000xi32, #tpu.memory_space<hbm>> -> memref<1000xi32, #tpu.memory_space<hbm>>
      tpu.enqueue_dma source(%dma_start3A_69 : memref<1000xi32, #tpu.memory_space<hbm>>) target(%arg6 : memref<1000xi32, #tpu.memory_space<vmem>>) target_semaphore(%arg12 : memref<!tpu.dma_semaphore, #tpu.memory_space<semaphore_mem>>)
      %mul3A_70 = arith.constant 1000 : i32
      %mul3A_71 = arith.muli %add3A_60, %mul3A_70 : i32
      %add3A_72 = arith.addi %mul3A_2, %mul3A_71 : i32
      %dma_wait3A_73 = tpu.memref_slice %arg2[%add3A_72] : memref<800000xi32, #tpu.memory_space<hbm>> -> memref<1000xi32, #tpu.memory_space<hbm>>
      %dma_wait3A_74 = tpu.memref_slice %arg2[%add3A_72] : memref<800000xi32, #tpu.memory_space<hbm>> -> memref<1000xi32, #tpu.memory_space<hbm>>
      tpu.wait_dma2 semaphore(%arg10 : memref<!tpu.dma_semaphore, #tpu.memory_space<semaphore_mem>>) src(%dma_wait3A_74 : memref<1000xi32, #tpu.memory_space<hbm>>) dst(%arg4 : memref<1000xi32, #tpu.memory_space<vmem>>)
      %dma_start3A_75 = arith.constant 0 : i32
      %dma_start3A_76 = tpu.memref_slice %arg8[%dma_start3A_75] : memref<1024xf32, #tpu.memory_space<vmem>> -> memref<1000xf32, #tpu.memory_space<vmem>>
      %dma_start3A_77 = arith.constant 0 : i32
      %dma_start3A_78 = tpu.memref_slice %arg16[%dma_start3A_77] : memref<51200xf32, #tpu.memory_space<vmem_shared>> -> memref<51200xf32, #tpu.memory_space<vmem_shared>>
      tpu.enqueue_indirect_dma source(%dma_start3A_76 : memref<1000xf32, #tpu.memory_space<vmem>>) target(%dma_start3A_78 : memref<51200xf32, #tpu.memory_space<vmem_shared>>) offsets(%arg4 : memref<1000xi32, #tpu.memory_space<vmem>>) semaphore(%arg14 : memref<!tpu.dma_semaphore, #tpu.memory_space<semaphore_mem>>) {add = true}
      %mul3A_79 = arith.constant 4 : i32
      %mul3A_80 = arith.muli %mul3A_79, %scan3A_56 : i32
      %add3A_81 = arith.constant 1 : i32
      %add3A_82 = arith.addi %mul3A_80, %add3A_81 : i32
      %ge3A_83 = arith.constant 1 : i32
      %ge3A_84 = arith.cmpi sge, %scan3A_56, %ge3A_83 : i32
      %convert_element_type3A_85 = arith.extui %ge3A_84 : i1 to i32
      %cond3A_86 = arith.constant 0 : i32
      %cond3A_87 = arith.cmpi ne, %convert_element_type3A_85, %cond3A_86 : i32
      scf.if %cond3A_87 {
        %dma_wait3A_149 = arith.constant 0 : i32
        %dma_wait3A_150 = tpu.memref_slice %arg8[%dma_wait3A_149] : memref<1024xf32, #tpu.memory_space<vmem>> -> memref<1000xf32, #tpu.memory_space<vmem>>
        %dma_wait3A_151 = arith.constant 0 : i32
        %dma_wait3A_152 = tpu.memref_slice %arg16[%dma_wait3A_151] : memref<51200xf32, #tpu.memory_space<vmem_shared>> -> memref<51200xf32, #tpu.memory_space<vmem_shared>>
        tpu.wait_indirect_dma semaphore(%arg15 : memref<!tpu.dma_semaphore, #tpu.memory_space<semaphore_mem>>) src(%dma_wait3A_150 : memref<1000xf32, #tpu.memory_space<vmem>>) dst(%dma_wait3A_152 : memref<51200xf32, #tpu.memory_space<vmem_shared>>)
      } else {
      }
      %add3A_88 = arith.constant 2 : i32
      %add3A_89 = arith.addi %add3A_82, %add3A_88 : i32
      %mul3A_90 = arith.constant 1000 : i32
      %mul3A_91 = arith.muli %add3A_89, %mul3A_90 : i32
      %add3A_92 = arith.addi %mul3A_2, %mul3A_91 : i32
      %dma_start3A_93 = tpu.memref_slice %arg2[%add3A_92] : memref<800000xi32, #tpu.memory_space<hbm>> -> memref<1000xi32, #tpu.memory_space<hbm>>
      %dma_start3A_94 = tpu.memref_slice %arg2[%add3A_92] : memref<800000xi32, #tpu.memory_space<hbm>> -> memref<1000xi32, #tpu.memory_space<hbm>>
      tpu.enqueue_dma source(%dma_start3A_94 : memref<1000xi32, #tpu.memory_space<hbm>>) target(%arg7 : memref<1000xi32, #tpu.memory_space<vmem>>) target_semaphore(%arg13 : memref<!tpu.dma_semaphore, #tpu.memory_space<semaphore_mem>>)
      %mul3A_95 = arith.constant 1000 : i32
      %mul3A_96 = arith.muli %add3A_82, %mul3A_95 : i32
      %add3A_97 = arith.addi %mul3A_2, %mul3A_96 : i32
      %dma_wait3A_98 = tpu.memref_slice %arg2[%add3A_97] : memref<800000xi32, #tpu.memory_space<hbm>> -> memref<1000xi32, #tpu.memory_space<hbm>>
      %dma_wait3A_99 = tpu.memref_slice %arg2[%add3A_97] : memref<800000xi32, #tpu.memory_space<hbm>> -> memref<1000xi32, #tpu.memory_space<hbm>>
      tpu.wait_dma2 semaphore(%arg11 : memref<!tpu.dma_semaphore, #tpu.memory_space<semaphore_mem>>) src(%dma_wait3A_99 : memref<1000xi32, #tpu.memory_space<hbm>>) dst(%arg5 : memref<1000xi32, #tpu.memory_space<vmem>>)
      %dma_start3A_100 = arith.constant 0 : i32
      %dma_start3A_101 = tpu.memref_slice %arg8[%dma_start3A_100] : memref<1024xf32, #tpu.memory_space<vmem>> -> memref<1000xf32, #tpu.memory_space<vmem>>
      %dma_start3A_102 = arith.constant 0 : i32
      %dma_start3A_103 = tpu.memref_slice %arg16[%dma_start3A_102] : memref<51200xf32, #tpu.memory_space<vmem_shared>> -> memref<51200xf32, #tpu.memory_space<vmem_shared>>
      tpu.enqueue_indirect_dma source(%dma_start3A_101 : memref<1000xf32, #tpu.memory_space<vmem>>) target(%dma_start3A_103 : memref<51200xf32, #tpu.memory_space<vmem_shared>>) offsets(%arg5 : memref<1000xi32, #tpu.memory_space<vmem>>) semaphore(%arg15 : memref<!tpu.dma_semaphore, #tpu.memory_space<semaphore_mem>>) {add = true}
      %mul3A_104 = arith.constant 4 : i32
      %mul3A_105 = arith.muli %mul3A_104, %scan3A_56 : i32
      %add3A_106 = arith.constant 2 : i32
      %add3A_107 = arith.addi %mul3A_105, %add3A_106 : i32
      %dma_wait3A_108 = arith.constant 0 : i32
      %dma_wait3A_109 = tpu.memref_slice %arg8[%dma_wait3A_108] : memref<1024xf32, #tpu.memory_space<vmem>> -> memref<1000xf32, #tpu.memory_space<vmem>>
      %dma_wait3A_110 = arith.constant 0 : i32
      %dma_wait3A_111 = tpu.memref_slice %arg16[%dma_wait3A_110] : memref<51200xf32, #tpu.memory_space<vmem_shared>> -> memref<51200xf32, #tpu.memory_space<vmem_shared>>
      tpu.wait_indirect_dma semaphore(%arg14 : memref<!tpu.dma_semaphore, #tpu.memory_space<semaphore_mem>>) src(%dma_wait3A_109 : memref<1000xf32, #tpu.memory_space<vmem>>) dst(%dma_wait3A_111 : memref<51200xf32, #tpu.memory_space<vmem_shared>>)
      %add3A_112 = arith.constant 2 : i32
      %add3A_113 = arith.addi %add3A_107, %add3A_112 : i32
      %mul3A_114 = arith.constant 1000 : i32
      %mul3A_115 = arith.muli %add3A_113, %mul3A_114 : i32
      %add3A_116 = arith.addi %mul3A_2, %mul3A_115 : i32
      %dma_start3A_117 = tpu.memref_slice %arg2[%add3A_116] : memref<800000xi32, #tpu.memory_space<hbm>> -> memref<1000xi32, #tpu.memory_space<hbm>>
      %dma_start3A_118 = tpu.memref_slice %arg2[%add3A_116] : memref<800000xi32, #tpu.memory_space<hbm>> -> memref<1000xi32, #tpu.memory_space<hbm>>
      tpu.enqueue_dma source(%dma_start3A_118 : memref<1000xi32, #tpu.memory_space<hbm>>) target(%arg4 : memref<1000xi32, #tpu.memory_space<vmem>>) target_semaphore(%arg10 : memref<!tpu.dma_semaphore, #tpu.memory_space<semaphore_mem>>)
      %mul3A_119 = arith.constant 1000 : i32
      %mul3A_120 = arith.muli %add3A_107, %mul3A_119 : i32
      %add3A_121 = arith.addi %mul3A_2, %mul3A_120 : i32
      %dma_wait3A_122 = tpu.memref_slice %arg2[%add3A_121] : memref<800000xi32, #tpu.memory_space<hbm>> -> memref<1000xi32, #tpu.memory_space<hbm>>
      %dma_wait3A_123 = tpu.memref_slice %arg2[%add3A_121] : memref<800000xi32, #tpu.memory_space<hbm>> -> memref<1000xi32, #tpu.memory_space<hbm>>
      tpu.wait_dma2 semaphore(%arg12 : memref<!tpu.dma_semaphore, #tpu.memory_space<semaphore_mem>>) src(%dma_wait3A_123 : memref<1000xi32, #tpu.memory_space<hbm>>) dst(%arg6 : memref<1000xi32, #tpu.memory_space<vmem>>)
      %dma_start3A_124 = arith.constant 0 : i32
      %dma_start3A_125 = tpu.memref_slice %arg8[%dma_start3A_124] : memref<1024xf32, #tpu.memory_space<vmem>> -> memref<1000xf32, #tpu.memory_space<vmem>>
      %dma_start3A_126 = arith.constant 0 : i32
      %dma_start3A_127 = tpu.memref_slice %arg16[%dma_start3A_126] : memref<51200xf32, #tpu.memory_space<vmem_shared>> -> memref<51200xf32, #tpu.memory_space<vmem_shared>>
      tpu.enqueue_indirect_dma source(%dma_start3A_125 : memref<1000xf32, #tpu.memory_space<vmem>>) target(%dma_start3A_127 : memref<51200xf32, #tpu.memory_space<vmem_shared>>) offsets(%arg6 : memref<1000xi32, #tpu.memory_space<vmem>>) semaphore(%arg14 : memref<!tpu.dma_semaphore, #tpu.memory_space<semaphore_mem>>) {add = true}
      %mul3A_128 = arith.constant 4 : i32
      %mul3A_129 = arith.muli %mul3A_128, %scan3A_56 : i32
      %add3A_130 = arith.constant 3 : i32
      %add3A_131 = arith.addi %mul3A_129, %add3A_130 : i32
      %dma_wait3A_132 = arith.constant 0 : i32
      %dma_wait3A_133 = tpu.memref_slice %arg8[%dma_wait3A_132] : memref<1024xf32, #tpu.memory_space<vmem>> -> memref<1000xf32, #tpu.memory_space<vmem>>
      %dma_wait3A_134 = arith.constant 0 : i32
      %dma_wait3A_135 = tpu.memref_slice %arg16[%dma_wait3A_134] : memref<51200xf32, #tpu.memory_space<vmem_shared>> -> memref<51200xf32, #tpu.memory_space<vmem_shared>>
      tpu.wait_indirect_dma semaphore(%arg15 : memref<!tpu.dma_semaphore, #tpu.memory_space<semaphore_mem>>) src(%dma_wait3A_133 : memref<1000xf32, #tpu.memory_space<vmem>>) dst(%dma_wait3A_135 : memref<51200xf32, #tpu.memory_space<vmem_shared>>)
      %lt3A = arith.constant 5 : i32
      %lt3A_136 = arith.cmpi slt, %scan3A_56, %lt3A : i32
      %convert_element_type3A_137 = arith.extui %lt3A_136 : i1 to i32
      %cond3A_138 = arith.constant 0 : i32
      %cond3A_139 = arith.cmpi ne, %convert_element_type3A_137, %cond3A_138 : i32
      scf.if %cond3A_139 {
        %add3A_149 = arith.constant 2 : i32
        %add3A_150 = arith.addi %add3A_131, %add3A_149 : i32
        %mul3A_151 = arith.constant 1000 : i32
        %mul3A_152 = arith.muli %add3A_150, %mul3A_151 : i32
        %add3A_153 = arith.addi %mul3A_2, %mul3A_152 : i32
        %dma_start3A_154 = tpu.memref_slice %arg2[%add3A_153] : memref<800000xi32, #tpu.memory_space<hbm>> -> memref<1000xi32, #tpu.memory_space<hbm>>
        %dma_start3A_155 = tpu.memref_slice %arg2[%add3A_153] : memref<800000xi32, #tpu.memory_space<hbm>> -> memref<1000xi32, #tpu.memory_space<hbm>>
        tpu.enqueue_dma source(%dma_start3A_155 : memref<1000xi32, #tpu.memory_space<hbm>>) target(%arg5 : memref<1000xi32, #tpu.memory_space<vmem>>) target_semaphore(%arg11 : memref<!tpu.dma_semaphore, #tpu.memory_space<semaphore_mem>>)
      } else {
      }
      %mul3A_140 = arith.constant 1000 : i32
      %mul3A_141 = arith.muli %add3A_131, %mul3A_140 : i32
      %add3A_142 = arith.addi %mul3A_2, %mul3A_141 : i32
      %dma_wait3A_143 = tpu.memref_slice %arg2[%add3A_142] : memref<800000xi32, #tpu.memory_space<hbm>> -> memref<1000xi32, #tpu.memory_space<hbm>>
      %dma_wait3A_144 = tpu.memref_slice %arg2[%add3A_142] : memref<800000xi32, #tpu.memory_space<hbm>> -> memref<1000xi32, #tpu.memory_space<hbm>>
      tpu.wait_dma2 semaphore(%arg13 : memref<!tpu.dma_semaphore, #tpu.memory_space<semaphore_mem>>) src(%dma_wait3A_144 : memref<1000xi32, #tpu.memory_space<hbm>>) dst(%arg7 : memref<1000xi32, #tpu.memory_space<vmem>>)
      %dma_start3A_145 = arith.constant 0 : i32
      %dma_start3A_146 = tpu.memref_slice %arg8[%dma_start3A_145] : memref<1024xf32, #tpu.memory_space<vmem>> -> memref<1000xf32, #tpu.memory_space<vmem>>
      %dma_start3A_147 = arith.constant 0 : i32
      %dma_start3A_148 = tpu.memref_slice %arg16[%dma_start3A_147] : memref<51200xf32, #tpu.memory_space<vmem_shared>> -> memref<51200xf32, #tpu.memory_space<vmem_shared>>
      tpu.enqueue_indirect_dma source(%dma_start3A_146 : memref<1000xf32, #tpu.memory_space<vmem>>) target(%dma_start3A_148 : memref<51200xf32, #tpu.memory_space<vmem_shared>>) offsets(%arg7 : memref<1000xi32, #tpu.memory_space<vmem>>) semaphore(%arg15 : memref<!tpu.dma_semaphore, #tpu.memory_space<semaphore_mem>>) {add = true}
    }
    %scan3A_28 = arith.constant 6 : i32
    %dma_wait3A = arith.constant 0 : i32
    %dma_wait3A_29 = tpu.memref_slice %arg8[%dma_wait3A] : memref<1024xf32, #tpu.memory_space<vmem>> -> memref<1000xf32, #tpu.memory_space<vmem>>
    %dma_wait3A_30 = arith.constant 0 : i32
    %dma_wait3A_31 = tpu.memref_slice %arg16[%dma_wait3A_30] : memref<51200xf32, #tpu.memory_space<vmem_shared>> -> memref<51200xf32, #tpu.memory_space<vmem_shared>>
    tpu.wait_indirect_dma semaphore(%arg14 : memref<!tpu.dma_semaphore, #tpu.memory_space<semaphore_mem>>) src(%dma_wait3A_29 : memref<1000xf32, #tpu.memory_space<vmem>>) dst(%dma_wait3A_31 : memref<51200xf32, #tpu.memory_space<vmem_shared>>)
    %add3A_32 = arith.constant 24000 : i32
    %add3A_33 = arith.addi %mul3A_2, %add3A_32 : i32
    %dma_wait3A_34 = tpu.memref_slice %arg2[%add3A_33] : memref<800000xi32, #tpu.memory_space<hbm>> -> memref<1000xi32, #tpu.memory_space<hbm>>
    %dma_wait3A_35 = tpu.memref_slice %arg2[%add3A_33] : memref<800000xi32, #tpu.memory_space<hbm>> -> memref<1000xi32, #tpu.memory_space<hbm>>
    tpu.wait_dma2 semaphore(%arg10 : memref<!tpu.dma_semaphore, #tpu.memory_space<semaphore_mem>>) src(%dma_wait3A_35 : memref<1000xi32, #tpu.memory_space<hbm>>) dst(%arg4 : memref<1000xi32, #tpu.memory_space<vmem>>)
    %dma_start3A_36 = arith.constant 0 : i32
    %dma_start3A_37 = tpu.memref_slice %arg8[%dma_start3A_36] : memref<1024xf32, #tpu.memory_space<vmem>> -> memref<1000xf32, #tpu.memory_space<vmem>>
    %dma_start3A_38 = arith.constant 0 : i32
    %dma_start3A_39 = tpu.memref_slice %arg16[%dma_start3A_38] : memref<51200xf32, #tpu.memory_space<vmem_shared>> -> memref<51200xf32, #tpu.memory_space<vmem_shared>>
    tpu.enqueue_indirect_dma source(%dma_start3A_37 : memref<1000xf32, #tpu.memory_space<vmem>>) target(%dma_start3A_39 : memref<51200xf32, #tpu.memory_space<vmem_shared>>) offsets(%arg4 : memref<1000xi32, #tpu.memory_space<vmem>>) semaphore(%arg14 : memref<!tpu.dma_semaphore, #tpu.memory_space<semaphore_mem>>) {add = true}
    %dma_wait3A_40 = arith.constant 0 : i32
    %dma_wait3A_41 = tpu.memref_slice %arg8[%dma_wait3A_40] : memref<1024xf32, #tpu.memory_space<vmem>> -> memref<1000xf32, #tpu.memory_space<vmem>>
    %dma_wait3A_42 = arith.constant 0 : i32
    %dma_wait3A_43 = tpu.memref_slice %arg16[%dma_wait3A_42] : memref<51200xf32, #tpu.memory_space<vmem_shared>> -> memref<51200xf32, #tpu.memory_space<vmem_shared>>
    tpu.wait_indirect_dma semaphore(%arg14 : memref<!tpu.dma_semaphore, #tpu.memory_space<semaphore_mem>>) src(%dma_wait3A_41 : memref<1000xf32, #tpu.memory_space<vmem>>) dst(%dma_wait3A_43 : memref<51200xf32, #tpu.memory_space<vmem_shared>>)
    %dma_wait3A_44 = arith.constant 0 : i32
    %dma_wait3A_45 = tpu.memref_slice %arg8[%dma_wait3A_44] : memref<1024xf32, #tpu.memory_space<vmem>> -> memref<1000xf32, #tpu.memory_space<vmem>>
    %dma_wait3A_46 = arith.constant 0 : i32
    %dma_wait3A_47 = tpu.memref_slice %arg16[%dma_wait3A_46] : memref<51200xf32, #tpu.memory_space<vmem_shared>> -> memref<51200xf32, #tpu.memory_space<vmem_shared>>
    tpu.wait_indirect_dma semaphore(%arg15 : memref<!tpu.dma_semaphore, #tpu.memory_space<semaphore_mem>>) src(%dma_wait3A_45 : memref<1000xf32, #tpu.memory_space<vmem>>) dst(%dma_wait3A_47 : memref<51200xf32, #tpu.memory_space<vmem_shared>>)
    %barrier3A_48 = arith.constant 0 : index
    tpu.barrier barrier_id(%barrier3A_48)
    %mul3A_49 = arith.constant 3200 : i32
    %mul3A_50 = arith.muli %arg1, %mul3A_49 : i32
    %mul3A_51 = arith.constant 51200 : i32
    %mul3A_52 = arith.muli %arg0, %mul3A_51 : i32
    %mul3A_53 = arith.constant 3200 : i32
    %mul3A_54 = arith.muli %arg1, %mul3A_53 : i32
    %add3A_55 = arith.addi %mul3A_52, %mul3A_54 : i32
    "tpu.region"() ({
      %run_scoped3A = tpu.sem_alloc : memref<!tpu.dma_semaphore, #tpu.memory_space<semaphore_mem>>
      %dma_start3A_56 = tpu.memref_slice %arg3[%add3A_55] : memref<102400xf32, #tpu.memory_space<hbm>> -> memref<3200xf32, #tpu.memory_space<hbm>>
      %dma_start3A_57 = tpu.memref_slice %arg16[%mul3A_50] : memref<51200xf32, #tpu.memory_space<vmem_shared>> -> memref<3200xf32, #tpu.memory_space<vmem_shared>>
      tpu.enqueue_dma source(%dma_start3A_57 : memref<3200xf32, #tpu.memory_space<vmem_shared>>) target(%dma_start3A_56 : memref<3200xf32, #tpu.memory_space<hbm>>) target_semaphore(%run_scoped3A : memref<!tpu.dma_semaphore, #tpu.memory_space<semaphore_mem>>)
      %dma_wait3A_58 = tpu.memref_slice %arg3[%add3A_55] : memref<102400xf32, #tpu.memory_space<hbm>> -> memref<3200xf32, #tpu.memory_space<hbm>>
      %dma_wait3A_59 = tpu.memref_slice %arg16[%mul3A_50] : memref<51200xf32, #tpu.memory_space<vmem_shared>> -> memref<3200xf32, #tpu.memory_space<vmem_shared>>
      tpu.wait_dma2 semaphore(%run_scoped3A : memref<!tpu.dma_semaphore, #tpu.memory_space<semaphore_mem>>) src(%dma_wait3A_59 : memref<3200xf32, #tpu.memory_space<vmem_shared>>) dst(%dma_wait3A_58 : memref<3200xf32, #tpu.memory_space<hbm>>)
      tpu.yield
    }) : () -> ()
    return
  }
}

#map = affine_map<(d0, d1) -> (0, 0)>
#map1 = affine_map<(d0, d1) -> (0)>
module attributes {stable_mosaic.version = 14 : i64} {
  func.func @_agg_body(%arg0: i32, %arg1: i32, %arg2: memref<50000x16xf32, #tpu.memory_space<hbm>>, %arg3: memref<800000xi32, #tpu.memory_space<hbm>>, %arg4: memref<800000xi32, #tpu.memory_space<hbm>>, %arg5: memref<102400x16xf32, #tpu.memory_space<hbm>>, %arg6: memref<1000xi32, #tpu.memory_space<vmem>>, %arg7: memref<1000xi32, #tpu.memory_space<vmem>>, %arg8: memref<1000xi32, #tpu.memory_space<vmem>>, %arg9: memref<1000xi32, #tpu.memory_space<vmem>>, %arg10: memref<1000x16xf32, #tpu.memory_space<vmem>>, %arg11: memref<1000x16xf32, #tpu.memory_space<vmem>>, %arg12: memref<200x16xf32, #tpu.memory_space<vmem>>, %arg13: memref<!tpu.dma_semaphore, #tpu.memory_space<semaphore_mem>>, %arg14: memref<!tpu.dma_semaphore, #tpu.memory_space<semaphore_mem>>, %arg15: memref<!tpu.dma_semaphore, #tpu.memory_space<semaphore_mem>>, %arg16: memref<!tpu.dma_semaphore, #tpu.memory_space<semaphore_mem>>, %arg17: memref<!tpu.dma_semaphore, #tpu.memory_space<semaphore_mem>>, %arg18: memref<!tpu.dma_semaphore, #tpu.memory_space<semaphore_mem>>, %arg19: memref<!tpu.dma_semaphore, #tpu.memory_space<semaphore_mem>>, %arg20: memref<!tpu.dma_semaphore, #tpu.memory_space<semaphore_mem>>, %arg21: memref<51200x16xf32, #tpu.memory_space<vmem_shared>>) attributes {dimension_semantics = [#tpu.dimension_semantics<core_parallel>, #tpu.dimension_semantics<subcore_parallel>], iteration_bounds = array<i64: 2, 16>, scalar_prefetch = 0 : i64, scratch_operands = 16 : i64, tpu.core_type = #tpu.core_type<sc_vector_subcore>, window_params = [{transform_indices = #map}, {transform_indices = #map1}, {transform_indices = #map1}, {transform_indices = #map}]} {
    %mul3A = arith.constant 16 : i32
    %mul3A_0 = arith.muli %arg0, %mul3A : i32
    %add3A = arith.addi %mul3A_0, %arg1 : i32
    %mul3A_1 = arith.constant 25000 : i32
    %mul3A_2 = arith.muli %add3A, %mul3A_1 : i32
    %add3A_3 = arith.constant 0 : i32
    %add3A_4 = arith.addi %mul3A_2, %add3A_3 : i32
    %dma_start3A = tpu.memref_slice %arg3[%add3A_4] : memref<800000xi32, #tpu.memory_space<hbm>> -> memref<1000xi32, #tpu.memory_space<hbm>>
    %dma_start3A_5 = tpu.memref_slice %arg3[%add3A_4] : memref<800000xi32, #tpu.memory_space<hbm>> -> memref<1000xi32, #tpu.memory_space<hbm>>
    tpu.enqueue_dma source(%dma_start3A_5 : memref<1000xi32, #tpu.memory_space<hbm>>) target(%arg6 : memref<1000xi32, #tpu.memory_space<vmem>>) target_semaphore(%arg13 : memref<!tpu.dma_semaphore, #tpu.memory_space<semaphore_mem>>)
    %add3A_6 = arith.constant 1000 : i32
    %add3A_7 = arith.addi %mul3A_2, %add3A_6 : i32
    %dma_start3A_8 = tpu.memref_slice %arg3[%add3A_7] : memref<800000xi32, #tpu.memory_space<hbm>> -> memref<1000xi32, #tpu.memory_space<hbm>>
    %dma_start3A_9 = tpu.memref_slice %arg3[%add3A_7] : memref<800000xi32, #tpu.memory_space<hbm>> -> memref<1000xi32, #tpu.memory_space<hbm>>
    tpu.enqueue_dma source(%dma_start3A_9 : memref<1000xi32, #tpu.memory_space<hbm>>) target(%arg7 : memref<1000xi32, #tpu.memory_space<vmem>>) target_semaphore(%arg14 : memref<!tpu.dma_semaphore, #tpu.memory_space<semaphore_mem>>)
    %scan3A = arith.constant 0 : i32
    %scan3A_10 = arith.constant 0 : i32
    %scan3A_11 = arith.constant 200 : i32
    %scan3A_12 = arith.addi %scan3A_10, %scan3A_11 : i32
    %scan3A_13 = arith.constant 1 : i32
    scf.for %scan3A_62 = %scan3A_10 to %scan3A_12 step %scan3A_13  : i32 {
      %broadcast_in_dim3A = arith.constant 0.000000e+00 : f32
      %broadcast_in_dim3A_63 = vector.broadcast %broadcast_in_dim3A : f32 to vector<16xf32>
      %swap3A = arith.index_cast %scan3A_62 : i32 to index
      %swap3A_64 = arith.constant 0 : index
      %swap3A_65 = tpu.vector_load %arg12[%swap3A, %swap3A_64] {strides = array<i32>} : memref<200x16xf32, #tpu.memory_space<vmem>>, vector<1x16xf32>,
      %swap3A_66 = vector.shape_cast %swap3A_65 : vector<1x16xf32> to vector<16xf32>
      %swap3A_67 = vector.shape_cast %broadcast_in_dim3A_63 : vector<16xf32> to vector<1x16xf32>
      tpu.vector_store %arg12[%swap3A, %swap3A_64], %swap3A_67 {strides = array<i32>} : memref<200x16xf32, #tpu.memory_space<vmem>>, vector<1x16xf32>,
    }
    %scan3A_14 = arith.constant 200 : i32
    %scan3A_15 = arith.constant 0 : i32
    %scan3A_16 = arith.constant 0 : i32
    %scan3A_17 = arith.constant 16 : i32
    %scan3A_18 = arith.addi %scan3A_16, %scan3A_17 : i32
    %scan3A_19 = arith.constant 1 : i32
    scf.for %scan3A_62 = %scan3A_16 to %scan3A_18 step %scan3A_19  : i32 {
      %mul3A_63 = arith.constant 3200 : i32
      %mul3A_64 = arith.muli %arg1, %mul3A_63 : i32
      %mul3A_65 = arith.constant 200 : i32
      %mul3A_66 = arith.muli %scan3A_62, %mul3A_65 : i32
      %add3A_67 = arith.addi %mul3A_64, %mul3A_66 : i32
      "tpu.region"() ({
        %run_scoped3A = tpu.sem_alloc : memref<!tpu.dma_semaphore, #tpu.memory_space<semaphore_mem>>
        %dma_start3A_68 = arith.constant 0 : i32
        %dma_start3A_69 = tpu.memref_slice %arg21[%add3A_67, %dma_start3A_68] : memref<51200x16xf32, #tpu.memory_space<vmem_shared>> -> memref<200x16xf32, #tpu.memory_space<vmem_shared>>
        %dma_start3A_70 = arith.constant 0 : i32
        %dma_start3A_71 = tpu.memref_slice %arg21[%add3A_67, %dma_start3A_70] : memref<51200x16xf32, #tpu.memory_space<vmem_shared>> -> memref<200x16xf32, #tpu.memory_space<vmem_shared>>
        tpu.enqueue_dma source(%arg12 : memref<200x16xf32, #tpu.memory_space<vmem>>) target(%dma_start3A_71 : memref<200x16xf32, #tpu.memory_space<vmem_shared>>) target_semaphore(%run_scoped3A : memref<!tpu.dma_semaphore, #tpu.memory_space<semaphore_mem>>)
        %dma_wait3A_72 = arith.constant 0 : i32
        %dma_wait3A_73 = tpu.memref_slice %arg21[%add3A_67, %dma_wait3A_72] : memref<51200x16xf32, #tpu.memory_space<vmem_shared>> -> memref<200x16xf32, #tpu.memory_space<vmem_shared>>
        %dma_wait3A_74 = arith.constant 0 : i32
        %dma_wait3A_75 = tpu.memref_slice %arg21[%add3A_67, %dma_wait3A_74] : memref<51200x16xf32, #tpu.memory_space<vmem_shared>> -> memref<200x16xf32, #tpu.memory_space<vmem_shared>>
        tpu.wait_dma2 semaphore(%run_scoped3A : memref<!tpu.dma_semaphore, #tpu.memory_space<semaphore_mem>>) src(%arg12 : memref<200x16xf32, #tpu.memory_space<vmem>>) dst(%dma_wait3A_75 : memref<200x16xf32, #tpu.memory_space<vmem_shared>>)
        tpu.yield
      }) : () -> ()
    }
    %scan3A_20 = arith.constant 16 : i32
    %barrier3A = arith.constant 0 : index
    tpu.barrier barrier_id(%barrier3A)
    %scan3A_21 = arith.constant 0 : i32
    %scan3A_22 = arith.constant 0 : i32
    %scan3A_23 = arith.constant 12 : i32
    %scan3A_24 = arith.addi %scan3A_22, %scan3A_23 : i32
    %scan3A_25 = arith.constant 1 : i32
    scf.for %scan3A_62 = %scan3A_22 to %scan3A_24 step %scan3A_25  : i32 {
      %mul3A_63 = arith.constant 2 : i32
      %mul3A_64 = arith.muli %mul3A_63, %scan3A_62 : i32
      %add3A_65 = arith.constant 0 : i32
      %add3A_66 = arith.addi %mul3A_64, %add3A_65 : i32
      %ge3A = arith.constant 1 : i32
      %ge3A_67 = arith.cmpi sge, %scan3A_62, %ge3A : i32
      %convert_element_type3A = arith.extui %ge3A_67 : i1 to i32
      %cond3A = arith.constant 0 : i32
      %cond3A_68 = arith.cmpi ne, %convert_element_type3A, %cond3A : i32
      scf.if %cond3A_68 {
        %dma_wait3A_131 = arith.constant 0 : i32
        %dma_wait3A_132 = arith.constant 0 : i32
        %dma_wait3A_133 = tpu.memref_slice %arg21[%dma_wait3A_131, %dma_wait3A_132] : memref<51200x16xf32, #tpu.memory_space<vmem_shared>> -> memref<51200x16xf32, #tpu.memory_space<vmem_shared>>
        tpu.wait_indirect_dma semaphore(%arg19 : memref<!tpu.dma_semaphore, #tpu.memory_space<semaphore_mem>>) src(%arg10 : memref<1000x16xf32, #tpu.memory_space<vmem>>) dst(%dma_wait3A_133 : memref<51200x16xf32, #tpu.memory_space<vmem_shared>>)
      } else {
      }
      %mul3A_69 = arith.constant 1000 : i32
      %mul3A_70 = arith.muli %add3A_66, %mul3A_69 : i32
      %add3A_71 = arith.addi %mul3A_2, %mul3A_70 : i32
      %dma_wait3A_72 = tpu.memref_slice %arg3[%add3A_71] : memref<800000xi32, #tpu.memory_space<hbm>> -> memref<1000xi32, #tpu.memory_space<hbm>>
      %dma_wait3A_73 = tpu.memref_slice %arg3[%add3A_71] : memref<800000xi32, #tpu.memory_space<hbm>> -> memref<1000xi32, #tpu.memory_space<hbm>>
      tpu.wait_dma2 semaphore(%arg13 : memref<!tpu.dma_semaphore, #tpu.memory_space<semaphore_mem>>) src(%dma_wait3A_73 : memref<1000xi32, #tpu.memory_space<hbm>>) dst(%arg6 : memref<1000xi32, #tpu.memory_space<vmem>>)
      %dma_start3A_74 = arith.constant 0 : i32
      %dma_start3A_75 = arith.constant 0 : i32
      %dma_start3A_76 = tpu.memref_slice %arg2[%dma_start3A_74, %dma_start3A_75] : memref<50000x16xf32, #tpu.memory_space<hbm>> -> memref<50000x16xf32, #tpu.memory_space<hbm>>
      tpu.enqueue_indirect_dma source(%dma_start3A_76 : memref<50000x16xf32, #tpu.memory_space<hbm>>) target(%arg10 : memref<1000x16xf32, #tpu.memory_space<vmem>>) offsets(%arg6 : memref<1000xi32, #tpu.memory_space<vmem>>) semaphore(%arg17 : memref<!tpu.dma_semaphore, #tpu.memory_space<semaphore_mem>>)
      %mul3A_77 = arith.constant 1000 : i32
      %mul3A_78 = arith.muli %add3A_66, %mul3A_77 : i32
      %add3A_79 = arith.addi %mul3A_2, %mul3A_78 : i32
      %dma_start3A_80 = tpu.memref_slice %arg4[%add3A_79] : memref<800000xi32, #tpu.memory_space<hbm>> -> memref<1000xi32, #tpu.memory_space<hbm>>
      %dma_start3A_81 = tpu.memref_slice %arg4[%add3A_79] : memref<800000xi32, #tpu.memory_space<hbm>> -> memref<1000xi32, #tpu.memory_space<hbm>>
      tpu.enqueue_dma source(%dma_start3A_81 : memref<1000xi32, #tpu.memory_space<hbm>>) target(%arg8 : memref<1000xi32, #tpu.memory_space<vmem>>) target_semaphore(%arg15 : memref<!tpu.dma_semaphore, #tpu.memory_space<semaphore_mem>>)
      %dma_wait3A_82 = arith.constant 0 : i32
      %dma_wait3A_83 = arith.constant 0 : i32
      %dma_wait3A_84 = tpu.memref_slice %arg2[%dma_wait3A_82, %dma_wait3A_83] : memref<50000x16xf32, #tpu.memory_space<hbm>> -> memref<50000x16xf32, #tpu.memory_space<hbm>>
      tpu.wait_indirect_dma semaphore(%arg17 : memref<!tpu.dma_semaphore, #tpu.memory_space<semaphore_mem>>) src(%dma_wait3A_84 : memref<50000x16xf32, #tpu.memory_space<hbm>>) dst(%arg10 : memref<1000x16xf32, #tpu.memory_space<vmem>>)
      %dma_wait3A_85 = tpu.memref_slice %arg4[%add3A_79] : memref<800000xi32, #tpu.memory_space<hbm>> -> memref<1000xi32, #tpu.memory_space<hbm>>
      %dma_wait3A_86 = tpu.memref_slice %arg4[%add3A_79] : memref<800000xi32, #tpu.memory_space<hbm>> -> memref<1000xi32, #tpu.memory_space<hbm>>
      tpu.wait_dma2 semaphore(%arg15 : memref<!tpu.dma_semaphore, #tpu.memory_space<semaphore_mem>>) src(%dma_wait3A_86 : memref<1000xi32, #tpu.memory_space<hbm>>) dst(%arg8 : memref<1000xi32, #tpu.memory_space<vmem>>)
      %dma_start3A_87 = arith.constant 0 : i32
      %dma_start3A_88 = arith.constant 0 : i32
      %dma_start3A_89 = tpu.memref_slice %arg21[%dma_start3A_87, %dma_start3A_88] : memref<51200x16xf32, #tpu.memory_space<vmem_shared>> -> memref<51200x16xf32, #tpu.memory_space<vmem_shared>>
      tpu.enqueue_indirect_dma source(%arg10 : memref<1000x16xf32, #tpu.memory_space<vmem>>) target(%dma_start3A_89 : memref<51200x16xf32, #tpu.memory_space<vmem_shared>>) offsets(%arg8 : memref<1000xi32, #tpu.memory_space<vmem>>) semaphore(%arg19 : memref<!tpu.dma_semaphore, #tpu.memory_space<semaphore_mem>>) {add = true}
      %add3A_90 = arith.constant 2 : i32
      %add3A_91 = arith.addi %add3A_66, %add3A_90 : i32
      %mul3A_92 = arith.constant 1000 : i32
      %mul3A_93 = arith.muli %add3A_91, %mul3A_92 : i32
      %add3A_94 = arith.addi %mul3A_2, %mul3A_93 : i32
      %dma_start3A_95 = tpu.memref_slice %arg3[%add3A_94] : memref<800000xi32, #tpu.memory_space<hbm>> -> memref<1000xi32, #tpu.memory_space<hbm>>
      %dma_start3A_96 = tpu.memref_slice %arg3[%add3A_94] : memref<800000xi32, #tpu.memory_space<hbm>> -> memref<1000xi32, #tpu.memory_space<hbm>>
      tpu.enqueue_dma source(%dma_start3A_96 : memref<1000xi32, #tpu.memory_space<hbm>>) target(%arg6 : memref<1000xi32, #tpu.memory_space<vmem>>) target_semaphore(%arg13 : memref<!tpu.dma_semaphore, #tpu.memory_space<semaphore_mem>>)
      %mul3A_97 = arith.constant 2 : i32
      %mul3A_98 = arith.muli %mul3A_97, %scan3A_62 : i32
      %add3A_99 = arith.constant 1 : i32
      %add3A_100 = arith.addi %mul3A_98, %add3A_99 : i32
      %ge3A_101 = arith.constant 1 : i32
      %ge3A_102 = arith.cmpi sge, %scan3A_62, %ge3A_101 : i32
      %convert_element_type3A_103 = arith.extui %ge3A_102 : i1 to i32
      %cond3A_104 = arith.constant 0 : i32
      %cond3A_105 = arith.cmpi ne, %convert_element_type3A_103, %cond3A_104 : i32
      scf.if %cond3A_105 {
        %dma_wait3A_131 = arith.constant 0 : i32
        %dma_wait3A_132 = arith.constant 0 : i32
        %dma_wait3A_133 = tpu.memref_slice %arg21[%dma_wait3A_131, %dma_wait3A_132] : memref<51200x16xf32, #tpu.memory_space<vmem_shared>> -> memref<51200x16xf32, #tpu.memory_space<vmem_shared>>
        tpu.wait_indirect_dma semaphore(%arg20 : memref<!tpu.dma_semaphore, #tpu.memory_space<semaphore_mem>>) src(%arg11 : memref<1000x16xf32, #tpu.memory_space<vmem>>) dst(%dma_wait3A_133 : memref<51200x16xf32, #tpu.memory_space<vmem_shared>>)
      } else {
      }
      %mul3A_106 = arith.constant 1000 : i32
      %mul3A_107 = arith.muli %add3A_100, %mul3A_106 : i32
      %add3A_108 = arith.addi %mul3A_2, %mul3A_107 : i32
      %dma_wait3A_109 = tpu.memref_slice %arg3[%add3A_108] : memref<800000xi32, #tpu.memory_space<hbm>> -> memref<1000xi32, #tpu.memory_space<hbm>>
      %dma_wait3A_110 = tpu.memref_slice %arg3[%add3A_108] : memref<800000xi32, #tpu.memory_space<hbm>> -> memref<1000xi32, #tpu.memory_space<hbm>>
      tpu.wait_dma2 semaphore(%arg14 : memref<!tpu.dma_semaphore, #tpu.memory_space<semaphore_mem>>) src(%dma_wait3A_110 : memref<1000xi32, #tpu.memory_space<hbm>>) dst(%arg7 : memref<1000xi32, #tpu.memory_space<vmem>>)
      %dma_start3A_111 = arith.constant 0 : i32
      %dma_start3A_112 = arith.constant 0 : i32
      %dma_start3A_113 = tpu.memref_slice %arg2[%dma_start3A_111, %dma_start3A_112] : memref<50000x16xf32, #tpu.memory_space<hbm>> -> memref<50000x16xf32, #tpu.memory_space<hbm>>
      tpu.enqueue_indirect_dma source(%dma_start3A_113 : memref<50000x16xf32, #tpu.memory_space<hbm>>) target(%arg11 : memref<1000x16xf32, #tpu.memory_space<vmem>>) offsets(%arg7 : memref<1000xi32, #tpu.memory_space<vmem>>) semaphore(%arg18 : memref<!tpu.dma_semaphore, #tpu.memory_space<semaphore_mem>>)
      %mul3A_114 = arith.constant 1000 : i32
      %mul3A_115 = arith.muli %add3A_100, %mul3A_114 : i32
      %add3A_116 = arith.addi %mul3A_2, %mul3A_115 : i32
      %dma_start3A_117 = tpu.memref_slice %arg4[%add3A_116] : memref<800000xi32, #tpu.memory_space<hbm>> -> memref<1000xi32, #tpu.memory_space<hbm>>
      %dma_start3A_118 = tpu.memref_slice %arg4[%add3A_116] : memref<800000xi32, #tpu.memory_space<hbm>> -> memref<1000xi32, #tpu.memory_space<hbm>>
      tpu.enqueue_dma source(%dma_start3A_118 : memref<1000xi32, #tpu.memory_space<hbm>>) target(%arg9 : memref<1000xi32, #tpu.memory_space<vmem>>) target_semaphore(%arg16 : memref<!tpu.dma_semaphore, #tpu.memory_space<semaphore_mem>>)
      %dma_wait3A_119 = arith.constant 0 : i32
      %dma_wait3A_120 = arith.constant 0 : i32
      %dma_wait3A_121 = tpu.memref_slice %arg2[%dma_wait3A_119, %dma_wait3A_120] : memref<50000x16xf32, #tpu.memory_space<hbm>> -> memref<50000x16xf32, #tpu.memory_space<hbm>>
      tpu.wait_indirect_dma semaphore(%arg18 : memref<!tpu.dma_semaphore, #tpu.memory_space<semaphore_mem>>) src(%dma_wait3A_121 : memref<50000x16xf32, #tpu.memory_space<hbm>>) dst(%arg11 : memref<1000x16xf32, #tpu.memory_space<vmem>>)
      %dma_wait3A_122 = tpu.memref_slice %arg4[%add3A_116] : memref<800000xi32, #tpu.memory_space<hbm>> -> memref<1000xi32, #tpu.memory_space<hbm>>
      %dma_wait3A_123 = tpu.memref_slice %arg4[%add3A_116] : memref<800000xi32, #tpu.memory_space<hbm>> -> memref<1000xi32, #tpu.memory_space<hbm>>
      tpu.wait_dma2 semaphore(%arg16 : memref<!tpu.dma_semaphore, #tpu.memory_space<semaphore_mem>>) src(%dma_wait3A_123 : memref<1000xi32, #tpu.memory_space<hbm>>) dst(%arg9 : memref<1000xi32, #tpu.memory_space<vmem>>)
      %dma_start3A_124 = arith.constant 0 : i32
      %dma_start3A_125 = arith.constant 0 : i32
      %dma_start3A_126 = tpu.memref_slice %arg21[%dma_start3A_124, %dma_start3A_125] : memref<51200x16xf32, #tpu.memory_space<vmem_shared>> -> memref<51200x16xf32, #tpu.memory_space<vmem_shared>>
      tpu.enqueue_indirect_dma source(%arg11 : memref<1000x16xf32, #tpu.memory_space<vmem>>) target(%dma_start3A_126 : memref<51200x16xf32, #tpu.memory_space<vmem_shared>>) offsets(%arg9 : memref<1000xi32, #tpu.memory_space<vmem>>) semaphore(%arg20 : memref<!tpu.dma_semaphore, #tpu.memory_space<semaphore_mem>>) {add = true}
      %lt3A = arith.constant 11 : i32
      %lt3A_127 = arith.cmpi slt, %scan3A_62, %lt3A : i32
      %convert_element_type3A_128 = arith.extui %lt3A_127 : i1 to i32
      %cond3A_129 = arith.constant 0 : i32
      %cond3A_130 = arith.cmpi ne, %convert_element_type3A_128, %cond3A_129 : i32
      scf.if %cond3A_130 {
        %add3A_131 = arith.constant 2 : i32
        %add3A_132 = arith.addi %add3A_100, %add3A_131 : i32
        %mul3A_133 = arith.constant 1000 : i32
        %mul3A_134 = arith.muli %add3A_132, %mul3A_133 : i32
        %add3A_135 = arith.addi %mul3A_2, %mul3A_134 : i32
        %dma_start3A_136 = tpu.memref_slice %arg3[%add3A_135] : memref<800000xi32, #tpu.memory_space<hbm>> -> memref<1000xi32, #tpu.memory_space<hbm>>
        %dma_start3A_137 = tpu.memref_slice %arg3[%add3A_135] : memref<800000xi32, #tpu.memory_space<hbm>> -> memref<1000xi32, #tpu.memory_space<hbm>>
        tpu.enqueue_dma source(%dma_start3A_137 : memref<1000xi32, #tpu.memory_space<hbm>>) target(%arg7 : memref<1000xi32, #tpu.memory_space<vmem>>) target_semaphore(%arg14 : memref<!tpu.dma_semaphore, #tpu.memory_space<semaphore_mem>>)
      } else {
      }
    }
    %scan3A_26 = arith.constant 12 : i32
    %dma_wait3A = arith.constant 0 : i32
    %dma_wait3A_27 = arith.constant 0 : i32
    %dma_wait3A_28 = tpu.memref_slice %arg21[%dma_wait3A, %dma_wait3A_27] : memref<51200x16xf32, #tpu.memory_space<vmem_shared>> -> memref<51200x16xf32, #tpu.memory_space<vmem_shared>>
    tpu.wait_indirect_dma semaphore(%arg19 : memref<!tpu.dma_semaphore, #tpu.memory_space<semaphore_mem>>) src(%arg10 : memref<1000x16xf32, #tpu.memory_space<vmem>>) dst(%dma_wait3A_28 : memref<51200x16xf32, #tpu.memory_space<vmem_shared>>)
    %add3A_29 = arith.constant 24000 : i32
    %add3A_30 = arith.addi %mul3A_2, %add3A_29 : i32
    %dma_wait3A_31 = tpu.memref_slice %arg3[%add3A_30] : memref<800000xi32, #tpu.memory_space<hbm>> -> memref<1000xi32, #tpu.memory_space<hbm>>
    %dma_wait3A_32 = tpu.memref_slice %arg3[%add3A_30] : memref<800000xi32, #tpu.memory_space<hbm>> -> memref<1000xi32, #tpu.memory_space<hbm>>
    tpu.wait_dma2 semaphore(%arg13 : memref<!tpu.dma_semaphore, #tpu.memory_space<semaphore_mem>>) src(%dma_wait3A_32 : memref<1000xi32, #tpu.memory_space<hbm>>) dst(%arg6 : memref<1000xi32, #tpu.memory_space<vmem>>)
    %dma_start3A_33 = arith.constant 0 : i32
    %dma_start3A_34 = arith.constant 0 : i32
    %dma_start3A_35 = tpu.memref_slice %arg2[%dma_start3A_33, %dma_start3A_34] : memref<50000x16xf32, #tpu.memory_space<hbm>> -> memref<50000x16xf32, #tpu.memory_space<hbm>>
    tpu.enqueue_indirect_dma source(%dma_start3A_35 : memref<50000x16xf32, #tpu.memory_space<hbm>>) target(%arg10 : memref<1000x16xf32, #tpu.memory_space<vmem>>) offsets(%arg6 : memref<1000xi32, #tpu.memory_space<vmem>>) semaphore(%arg17 : memref<!tpu.dma_semaphore, #tpu.memory_space<semaphore_mem>>)
    %add3A_36 = arith.constant 24000 : i32
    %add3A_37 = arith.addi %mul3A_2, %add3A_36 : i32
    %dma_start3A_38 = tpu.memref_slice %arg4[%add3A_37] : memref<800000xi32, #tpu.memory_space<hbm>> -> memref<1000xi32, #tpu.memory_space<hbm>>
    %dma_start3A_39 = tpu.memref_slice %arg4[%add3A_37] : memref<800000xi32, #tpu.memory_space<hbm>> -> memref<1000xi32, #tpu.memory_space<hbm>>
    tpu.enqueue_dma source(%dma_start3A_39 : memref<1000xi32, #tpu.memory_space<hbm>>) target(%arg8 : memref<1000xi32, #tpu.memory_space<vmem>>) target_semaphore(%arg15 : memref<!tpu.dma_semaphore, #tpu.memory_space<semaphore_mem>>)
    %dma_wait3A_40 = arith.constant 0 : i32
    %dma_wait3A_41 = arith.constant 0 : i32
    %dma_wait3A_42 = tpu.memref_slice %arg2[%dma_wait3A_40, %dma_wait3A_41] : memref<50000x16xf32, #tpu.memory_space<hbm>> -> memref<50000x16xf32, #tpu.memory_space<hbm>>
    tpu.wait_indirect_dma semaphore(%arg17 : memref<!tpu.dma_semaphore, #tpu.memory_space<semaphore_mem>>) src(%dma_wait3A_42 : memref<50000x16xf32, #tpu.memory_space<hbm>>) dst(%arg10 : memref<1000x16xf32, #tpu.memory_space<vmem>>)
    %dma_wait3A_43 = tpu.memref_slice %arg4[%add3A_37] : memref<800000xi32, #tpu.memory_space<hbm>> -> memref<1000xi32, #tpu.memory_space<hbm>>
    %dma_wait3A_44 = tpu.memref_slice %arg4[%add3A_37] : memref<800000xi32, #tpu.memory_space<hbm>> -> memref<1000xi32, #tpu.memory_space<hbm>>
    tpu.wait_dma2 semaphore(%arg15 : memref<!tpu.dma_semaphore, #tpu.memory_space<semaphore_mem>>) src(%dma_wait3A_44 : memref<1000xi32, #tpu.memory_space<hbm>>) dst(%arg8 : memref<1000xi32, #tpu.memory_space<vmem>>)
    %dma_start3A_45 = arith.constant 0 : i32
    %dma_start3A_46 = arith.constant 0 : i32
    %dma_start3A_47 = tpu.memref_slice %arg21[%dma_start3A_45, %dma_start3A_46] : memref<51200x16xf32, #tpu.memory_space<vmem_shared>> -> memref<51200x16xf32, #tpu.memory_space<vmem_shared>>
    tpu.enqueue_indirect_dma source(%arg10 : memref<1000x16xf32, #tpu.memory_space<vmem>>) target(%dma_start3A_47 : memref<51200x16xf32, #tpu.memory_space<vmem_shared>>) offsets(%arg8 : memref<1000xi32, #tpu.memory_space<vmem>>) semaphore(%arg19 : memref<!tpu.dma_semaphore, #tpu.memory_space<semaphore_mem>>) {add = true}
    %dma_wait3A_48 = arith.constant 0 : i32
    %dma_wait3A_49 = arith.constant 0 : i32
    %dma_wait3A_50 = tpu.memref_slice %arg21[%dma_wait3A_48, %dma_wait3A_49] : memref<51200x16xf32, #tpu.memory_space<vmem_shared>> -> memref<51200x16xf32, #tpu.memory_space<vmem_shared>>
    tpu.wait_indirect_dma semaphore(%arg19 : memref<!tpu.dma_semaphore, #tpu.memory_space<semaphore_mem>>) src(%arg10 : memref<1000x16xf32, #tpu.memory_space<vmem>>) dst(%dma_wait3A_50 : memref<51200x16xf32, #tpu.memory_space<vmem_shared>>)
    %dma_wait3A_51 = arith.constant 0 : i32
    %dma_wait3A_52 = arith.constant 0 : i32
    %dma_wait3A_53 = tpu.memref_slice %arg21[%dma_wait3A_51, %dma_wait3A_52] : memref<51200x16xf32, #tpu.memory_space<vmem_shared>> -> memref<51200x16xf32, #tpu.memory_space<vmem_shared>>
    tpu.wait_indirect_dma semaphore(%arg20 : memref<!tpu.dma_semaphore, #tpu.memory_space<semaphore_mem>>) src(%arg11 : memref<1000x16xf32, #tpu.memory_space<vmem>>) dst(%dma_wait3A_53 : memref<51200x16xf32, #tpu.memory_space<vmem_shared>>)
    %barrier3A_54 = arith.constant 0 : index
    tpu.barrier barrier_id(%barrier3A_54)
    %mul3A_55 = arith.constant 3200 : i32
    %mul3A_56 = arith.muli %arg1, %mul3A_55 : i32
    %mul3A_57 = arith.constant 51200 : i32
    %mul3A_58 = arith.muli %arg0, %mul3A_57 : i32
    %mul3A_59 = arith.constant 3200 : i32
    %mul3A_60 = arith.muli %arg1, %mul3A_59 : i32
    %add3A_61 = arith.addi %mul3A_58, %mul3A_60 : i32
    "tpu.region"() ({
      %run_scoped3A = tpu.sem_alloc : memref<!tpu.dma_semaphore, #tpu.memory_space<semaphore_mem>>
      %dma_start3A_62 = arith.constant 0 : i32
      %dma_start3A_63 = tpu.memref_slice %arg5[%add3A_61, %dma_start3A_62] : memref<102400x16xf32, #tpu.memory_space<hbm>> -> memref<3200x16xf32, #tpu.memory_space<hbm>>
      %dma_start3A_64 = arith.constant 0 : i32
      %dma_start3A_65 = tpu.memref_slice %arg21[%mul3A_56, %dma_start3A_64] : memref<51200x16xf32, #tpu.memory_space<vmem_shared>> -> memref<3200x16xf32, #tpu.memory_space<vmem_shared>>
      tpu.enqueue_dma source(%dma_start3A_65 : memref<3200x16xf32, #tpu.memory_space<vmem_shared>>) target(%dma_start3A_63 : memref<3200x16xf32, #tpu.memory_space<hbm>>) target_semaphore(%run_scoped3A : memref<!tpu.dma_semaphore, #tpu.memory_space<semaphore_mem>>)
      %dma_wait3A_66 = arith.constant 0 : i32
      %dma_wait3A_67 = tpu.memref_slice %arg5[%add3A_61, %dma_wait3A_66] : memref<102400x16xf32, #tpu.memory_space<hbm>> -> memref<3200x16xf32, #tpu.memory_space<hbm>>
      %dma_wait3A_68 = arith.constant 0 : i32
      %dma_wait3A_69 = tpu.memref_slice %arg21[%mul3A_56, %dma_wait3A_68] : memref<51200x16xf32, #tpu.memory_space<vmem_shared>> -> memref<3200x16xf32, #tpu.memory_space<vmem_shared>>
      tpu.wait_dma2 semaphore(%run_scoped3A : memref<!tpu.dma_semaphore, #tpu.memory_space<semaphore_mem>>) src(%dma_wait3A_69 : memref<3200x16xf32, #tpu.memory_space<vmem_shared>>) dst(%dma_wait3A_67 : memref<3200x16xf32, #tpu.memory_space<hbm>>)
      tpu.yield
    }) : () -> ()
    return
  }
}

module attributes {stable_mosaic.version = 14 : i64} {
  func.func @_kd_body(%arg0: i32, %arg1: memref<2x400x128xf32, #tpu.memory_space<vmem>>, %arg2: memref<400x128xf32, #tpu.memory_space<vmem>>) attributes {dimension_semantics = [#tpu.dimension_semantics<arbitrary>], iteration_bounds = array<i64: 1>, scalar_prefetch = 0 : i64, scratch_operands = 0 : i64, tpu.core_type = #tpu.core_type<tc>, window_params = [{pipeline_mode = #tpu.pipeline_mode<synchronous>, transform_indices = @transform_0, window_bounds = array<i64: 2, 400, 128>}, {pipeline_mode = #tpu.pipeline_mode<synchronous>, transform_indices = @transform_1, window_bounds = array<i64: 400, 128>}]} {
    %get3A = arith.constant 0 : index
    %get3A_0 = arith.constant 0 : index
    %get3A_1 = arith.constant 0 : index
    %get3A_2 = vector.load %arg1[%get3A, %get3A_0, %get3A_1] : memref<2x400x128xf32, #tpu.memory_space<vmem>>, vector<1x400x128xf32>
    %get3A_3 = vector.shape_cast %get3A_2 : vector<1x400x128xf32> to vector<400x128xf32>
    %get3A_4 = arith.constant 1 : index
    %get3A_5 = arith.constant 0 : index
    %get3A_6 = arith.constant 0 : index
    %get3A_7 = vector.load %arg1[%get3A_4, %get3A_5, %get3A_6] : memref<2x400x128xf32, #tpu.memory_space<vmem>>, vector<1x400x128xf32>
    %get3A_8 = vector.shape_cast %get3A_7 : vector<1x400x128xf32> to vector<400x128xf32>
    %add3A = arith.addf %get3A_3, %get3A_8 : vector<400x128xf32>
    %add3A_9 = arith.constant 1.000000e+00 : f32
    %add3A_10 = vector.broadcast %add3A_9 : f32 to vector<400x128xf32>
    %add3A_11 = arith.addf %add3A, %add3A_10 : vector<400x128xf32>
    %rsqrt3A = math.rsqrt %add3A_11 : vector<400x128xf32>
    %swap3A = arith.constant 0 : index
    %swap3A_12 = arith.constant 0 : index
    %swap3A_13 = vector.load %arg2[%swap3A, %swap3A_12] : memref<400x128xf32, #tpu.memory_space<vmem>>, vector<400x128xf32>
    tpu.vector_store %arg2[%swap3A, %swap3A_12], %rsqrt3A {strides = array<i32>} : memref<400x128xf32, #tpu.memory_space<vmem>>, vector<400x128xf32>,
    return
  }
  func.func @transform_0(%arg0: i32) -> (i32, i32, i32) {
    %c0_i32 = arith.constant 0 : i32
    %c0_i32_0 = arith.constant 0 : i32
    %c0_i32_1 = arith.constant 0 : i32
    %c0_i32_2 = arith.constant 0 : i32
    return %c0_i32, %c0_i32_0, %c0_i32_1 : i32, i32, i32
  }
  func.func @transform_1(%arg0: i32) -> (i32, i32) {
    %c0_i32 = arith.constant 0 : i32
    %c0_i32_0 = arith.constant 0 : i32
    %c0_i32_1 = arith.constant 0 : i32
    return %c0_i32, %c0_i32_0 : i32, i32
  }
}

module attributes {stable_mosaic.version = 14 : i64} {
  func.func @_tc1_body(%arg0: memref<6250x800xf32, #tpu.memory_space<vmem>>, %arg1: memref<800x128xf32, #tpu.memory_space<vmem>>, %arg2: memref<6250x128xf32, #tpu.memory_space<vmem>>, %arg3: memref<6250x128xf32, #tpu.memory_space<vmem>>) attributes {dimension_semantics = [], scalar_prefetch = 0 : i64, scratch_operands = 0 : i64, tpu.core_type = #tpu.core_type<tc>} {
    %get3A = arith.constant 0 : index
    %get3A_0 = arith.constant 0 : index
    %get3A_1 = vector.load %arg0[%get3A, %get3A_0] : memref<6250x800xf32, #tpu.memory_space<vmem>>, vector<6250x800xf32>
    %get3A_2 = arith.constant 0 : index
    %get3A_3 = arith.constant 0 : index
    %get3A_4 = vector.load %arg1[%get3A_2, %get3A_3] : memref<800x128xf32, #tpu.memory_space<vmem>>, vector<800x128xf32>
    %dot_general3A = arith.constant dense<0.000000e+00> : vector<6250x128xf32>
    %dot_general3A_5 = tpu.matmul %get3A_1, %get3A_4, %dot_general3A {dimension_numbers = #tpu.dot_dimension_numbers<[1], [0], [0], [1], [0, 0, 1, 1], [], []>, transpose_lhs_hint = false} : vector<6250x800xf32>, vector<800x128xf32>, vector<6250x128xf32> -> vector<6250x128xf32>
    %get3A_6 = arith.constant 0 : index
    %get3A_7 = arith.constant 0 : index
    %get3A_8 = vector.load %arg2[%get3A_6, %get3A_7] : memref<6250x128xf32, #tpu.memory_space<vmem>>, vector<6250x128xf32>
    %mul3A = arith.mulf %get3A_8, %dot_general3A_5 : vector<6250x128xf32>
    %swap3A = arith.constant 0 : index
    %swap3A_9 = arith.constant 0 : index
    %swap3A_10 = vector.load %arg3[%swap3A, %swap3A_9] : memref<6250x128xf32, #tpu.memory_space<vmem>>, vector<6250x128xf32>
    tpu.vector_store %arg3[%swap3A, %swap3A_9], %mul3A {strides = array<i32>} : memref<6250x128xf32, #tpu.memory_space<vmem>>, vector<6250x128xf32>,
    return
  }
}

module attributes {stable_mosaic.version = 14 : i64} {
  func.func @_tc2_body(%arg0: memref<2x6400x128xf32, #tpu.memory_space<vmem>>, %arg1: memref<6250x128xf32, #tpu.memory_space<vmem>>, %arg2: memref<6250x128xf32, #tpu.memory_space<vmem>>, %arg3: memref<1x128xf32, #tpu.memory_space<vmem>>, %arg4: memref<6250x128xf32, #tpu.memory_space<vmem>>) attributes {dimension_semantics = [], scalar_prefetch = 0 : i64, scratch_operands = 0 : i64, tpu.core_type = #tpu.core_type<tc>} {
    %get3A = arith.constant 0 : index
    %get3A_0 = arith.constant 0 : index
    %get3A_1 = vector.load %arg2[%get3A, %get3A_0] : memref<6250x128xf32, #tpu.memory_space<vmem>>, vector<6250x128xf32>
    %get3A_2 = arith.constant 0 : index
    %get3A_3 = arith.constant 0 : index
    %get3A_4 = arith.constant 0 : index
    %get3A_5 = vector.load %arg0[%get3A_2, %get3A_3, %get3A_4] : memref<2x6400x128xf32, #tpu.memory_space<vmem>>, vector<1x6250x128xf32>
    %get3A_6 = vector.shape_cast %get3A_5 : vector<1x6250x128xf32> to vector<6250x128xf32>
    %get3A_7 = arith.constant 1 : index
    %get3A_8 = arith.constant 0 : index
    %get3A_9 = arith.constant 0 : index
    %get3A_10 = vector.load %arg0[%get3A_7, %get3A_8, %get3A_9] : memref<2x6400x128xf32, #tpu.memory_space<vmem>>, vector<1x6250x128xf32>
    %get3A_11 = vector.shape_cast %get3A_10 : vector<1x6250x128xf32> to vector<6250x128xf32>
    %add3A = arith.addf %get3A_6, %get3A_11 : vector<6250x128xf32>
    %get3A_12 = arith.constant 0 : index
    %get3A_13 = arith.constant 0 : index
    %get3A_14 = vector.load %arg1[%get3A_12, %get3A_13] : memref<6250x128xf32, #tpu.memory_space<vmem>>, vector<6250x128xf32>
    %add3A_15 = arith.addf %add3A, %get3A_14 : vector<6250x128xf32>
    %mul3A = arith.mulf %get3A_1, %add3A_15 : vector<6250x128xf32>
    %get3A_16 = arith.constant 0 : index
    %get3A_17 = arith.constant 0 : index
    %get3A_18 = vector.load %arg3[%get3A_16, %get3A_17] : memref<1x128xf32, #tpu.memory_space<vmem>>, vector<1x128xf32>
    %add3A_19 = vector.broadcast %get3A_18 : vector<1x128xf32> to vector<6250x128xf32>
    %add3A_20 = arith.addf %mul3A, %add3A_19 : vector<6250x128xf32>
    %max3A = arith.constant 0.000000e+00 : f32
    %max3A_21 = vector.broadcast %max3A : f32 to vector<6250x128xf32>
    %max3A_22 = arith.maximumf %add3A_20, %max3A_21 : vector<6250x128xf32>
    %mul3A_23 = arith.mulf %get3A_1, %max3A_22 : vector<6250x128xf32>
    %swap3A = arith.constant 0 : index
    %swap3A_24 = arith.constant 0 : index
    %swap3A_25 = vector.load %arg4[%swap3A, %swap3A_24] : memref<6250x128xf32, #tpu.memory_space<vmem>>, vector<6250x128xf32>
    tpu.vector_store %arg4[%swap3A, %swap3A_24], %mul3A_23 {strides = array<i32>} : memref<6250x128xf32, #tpu.memory_space<vmem>>, vector<6250x128xf32>,
    return
  }
}

module attributes {stable_mosaic.version = 14 : i64} {
  func.func @_tc3_body(%arg0: memref<2x6400x128xf32, #tpu.memory_space<vmem>>, %arg1: memref<6250x128xf32, #tpu.memory_space<vmem>>, %arg2: memref<6250x128xf32, #tpu.memory_space<vmem>>, %arg3: memref<128x160xf32, #tpu.memory_space<vmem>>, %arg4: memref<1x160xf32, #tpu.memory_space<vmem>>, %arg5: memref<160x160xf32, #tpu.memory_space<vmem>>, %arg6: memref<6250x160xf32, #tpu.memory_space<vmem>>) attributes {dimension_semantics = [], scalar_prefetch = 0 : i64, scratch_operands = 0 : i64, tpu.core_type = #tpu.core_type<tc>} {
    %get3A = arith.constant 0 : index
    %get3A_0 = arith.constant 0 : index
    %get3A_1 = arith.constant 0 : index
    %get3A_2 = vector.load %arg0[%get3A, %get3A_0, %get3A_1] : memref<2x6400x128xf32, #tpu.memory_space<vmem>>, vector<1x6250x128xf32>
    %get3A_3 = vector.shape_cast %get3A_2 : vector<1x6250x128xf32> to vector<6250x128xf32>
    %get3A_4 = arith.constant 1 : index
    %get3A_5 = arith.constant 0 : index
    %get3A_6 = arith.constant 0 : index
    %get3A_7 = vector.load %arg0[%get3A_4, %get3A_5, %get3A_6] : memref<2x6400x128xf32, #tpu.memory_space<vmem>>, vector<1x6250x128xf32>
    %get3A_8 = vector.shape_cast %get3A_7 : vector<1x6250x128xf32> to vector<6250x128xf32>
    %add3A = arith.addf %get3A_3, %get3A_8 : vector<6250x128xf32>
    %get3A_9 = arith.constant 0 : index
    %get3A_10 = arith.constant 0 : index
    %get3A_11 = vector.load %arg1[%get3A_9, %get3A_10] : memref<6250x128xf32, #tpu.memory_space<vmem>>, vector<6250x128xf32>
    %add3A_12 = arith.addf %add3A, %get3A_11 : vector<6250x128xf32>
    %get3A_13 = arith.constant 0 : index
    %get3A_14 = arith.constant 0 : index
    %get3A_15 = vector.load %arg2[%get3A_13, %get3A_14] : memref<6250x128xf32, #tpu.memory_space<vmem>>, vector<6250x128xf32>
    %mul3A = arith.mulf %get3A_15, %add3A_12 : vector<6250x128xf32>
    %get3A_16 = arith.constant 0 : index
    %get3A_17 = arith.constant 0 : index
    %get3A_18 = vector.load %arg3[%get3A_16, %get3A_17] : memref<128x160xf32, #tpu.memory_space<vmem>>, vector<128x160xf32>
    %dot_general3A = arith.constant dense<0.000000e+00> : vector<6250x160xf32>
    %dot_general3A_19 = tpu.matmul %mul3A, %get3A_18, %dot_general3A {dimension_numbers = #tpu.dot_dimension_numbers<[1], [0], [0], [1], [0, 0, 1, 1], [], []>, transpose_lhs_hint = false} : vector<6250x128xf32>, vector<128x160xf32>, vector<6250x160xf32> -> vector<6250x160xf32>
    %get3A_20 = arith.constant 0 : index
    %get3A_21 = arith.constant 0 : index
    %get3A_22 = vector.load %arg4[%get3A_20, %get3A_21] : memref<1x160xf32, #tpu.memory_space<vmem>>, vector<1x160xf32>
    %add3A_23 = vector.broadcast %get3A_22 : vector<1x160xf32> to vector<6250x160xf32>
    %add3A_24 = arith.addf %dot_general3A_19, %add3A_23 : vector<6250x160xf32>
    %reduce_max3A = arith.constant dense<0xFF800000> : vector<6250xf32>
    %reduce_max3A_25 = vector.multi_reduction <maximumf>, %add3A_24, %reduce_max3A [1] : vector<6250x160xf32> to vector<6250xf32>
    %broadcast_in_dim3A = vector.shape_cast %reduce_max3A_25 : vector<6250xf32> to vector<6250x1xf32>
    %sub3A = vector.broadcast %broadcast_in_dim3A : vector<6250x1xf32> to vector<6250x160xf32>
    %sub3A_26 = arith.subf %add3A_24, %sub3A : vector<6250x160xf32>
    %exp3A = math.exp %sub3A_26 : vector<6250x160xf32>
    %get3A_27 = arith.constant 0 : index
    %get3A_28 = arith.constant 0 : index
    %get3A_29 = vector.load %arg5[%get3A_27, %get3A_28] : memref<160x160xf32, #tpu.memory_space<vmem>>, vector<160x160xf32>
    %dot_general3A_30 = arith.constant dense<0.000000e+00> : vector<6250x160xf32>
    %dot_general3A_31 = tpu.matmul %exp3A, %get3A_29, %dot_general3A_30 {dimension_numbers = #tpu.dot_dimension_numbers<[1], [0], [0], [1], [0, 0, 1, 1], [], []>, transpose_lhs_hint = false} : vector<6250x160xf32>, vector<160x160xf32>, vector<6250x160xf32> -> vector<6250x160xf32>
    %sub3A_32 = vector.broadcast %broadcast_in_dim3A : vector<6250x1xf32> to vector<6250x160xf32>
    %sub3A_33 = arith.subf %add3A_24, %sub3A_32 : vector<6250x160xf32>
    %log3A = math.log %dot_general3A_31 : vector<6250x160xf32>
    %sub3A_34 = arith.subf %sub3A_33, %log3A : vector<6250x160xf32>
    %swap3A = arith.constant 0 : index
    %swap3A_35 = arith.constant 0 : index
    %swap3A_36 = vector.load %arg6[%swap3A, %swap3A_35] : memref<6250x160xf32, #tpu.memory_space<vmem>>, vector<6250x160xf32>
    tpu.vector_store %arg6[%swap3A, %swap3A_35], %sub3A_34 {strides = array<i32>} : memref<6250x160xf32, #tpu.memory_space<vmem>>, vector<6250x160xf32>,
    return
  }
}

</mosaic_0001>

<sc_bundles>
// kernel: kernel.12.cloned.1.call-start
scs
__scs_entry_jumppad:
0x0: {  	(pc) =	sbr.rel $0x88, $3  }
0x1: {  	(tag) =	ssettag $0x0;
	lr =	simm.s32 $0x1  }
0x2: {  	[smem:$0x3F9B] =	sst lr;
	_ =	strace $0xD0000000  }
0x3: {  	_ = 	snop  }
0x4: {  	_ = 	snop  }
0x5: {  	_ = 	snop  }
0x6: {  	_ = 	snop  }
0x7: {  	_ = 	snop  }
__scs_overlays_trampoline_lowered:
0x8: {  	[smem:$0x3FAA] =	sst s0  }
0x9: {  	[smem:$0x3FAB] =	sst s1  }
0xa: {  	[smem:$0x3FAC] =	sst s2  }
0xb: {  	[smem:$0x3FAD] =	sst s3  }
0xc: {  	[smem:$0x3FAE] =	sst s4  }
0xd: {  	[smem:$0x3FAF] =	sst s5  }
0xe: {  	[smem:$0x3FB0] =	sst s6  }
0xf: {  	[smem:$0x3FB1] =	sst s7  }
0x10: {  	[smem:$0x3FB2] =	sst s8  }
0x11: {  	[smem:$0x3FB3] =	sst s9;
	s0 =	simm.s32 @!p0 $0x0  }
0x12: {  	s1 =	sld [smem:$0x3F99];
	s0 =	simm.s32 @p0 $0x1  }
0x13: {  	[smem:$0x3FB4] =	sst s0;
	s0 =	simm.s32 @!p1 $0x0  }
0x14: {  	s2 =	sld [smem:$0x3F98];
	s0 =	simm.s32 @p1 $0x1  }
0x15: {  	[smem:$0x3FB5] =	sst s0;
	s0 =	simm.s32 @!p2 $0x0  }
0x16: {  	s3 =	sld [smem:$0x3FDB];
	s0 =	simm.s32 @p2 $0x1  }
0x17: {  	s4 =	simm.s32 $0x1BF5;
	[smem:$0x3FB7] =	sst s0  }
0x18: {  	s0 =	sld [smem:$0x3F9A];
	_ =	swait.ge [sflag:s4], $0x0  }
0x19: {  	s7 =	sld [smem:$0x3F9B]  }
0x1a: {  	s8 =	sadd.s32 $0xFFFFE003, lr  }
0x1b: {  	s9 =	sadd.s32 $0xFFFFFEF7, lr;
	s5 =	simm.s32 $0xFFFFFFFF;
	p2 =	slt.u32 s8, $0xFFFFF086  }
0x1c: {  	p1 =	slt.u32 s9, $0xF7A;
	s5 =	simm.s32 @!p2 $0x0  }
0x1d: {  	s5 =	simm.s32 @p1 $0x1;
	p0 =	seq.s32 s7, s2  }
0x1e: {  	s7 =	smul.u32 @!p0 $0xF7A, s2;
	p2 =	seq.s32 @!p0 s5, $0x0  }
0x1f: {  	s9 =	smul.u32 $0xF7A, s1;
	s8 =	simm.s32 @!p0 $0x1BF5;
	p2 =	por !p2, p0  }
0x20: {  	[sflag:s8] =	ssyncset.s32 @!p0 $0xFFFFF086;
	s6 =	sadd.s32 @!p0 s3, s7;
	s7 =	simm.s32 @!p0 $0x108  }
0x21: {  	s3 =	sadd.s32 s3, s9;
	s6 =	sadd.s32 @!p0 $0x88, s6;
	s7 =	simm.s32 @p2 $0x1082  }
0x22: {  	[simem:s7], [sflag:s8] =	dma.local @!p0 [hbm:s6], $0xF7A  }
0x23: {  	s9 =	sor.u32 $0xD0000000, s2;
	s6 =	simm.s32 $0x108;
	_ =	swait.ge @!p0 [sflag:s8], $0x0  }
0x24: {  	s3 =	sadd.s32 $0x88, s3;
	s6 =	simm.s32 @!p1 $0x1082;
	[sflag:s4] =	ssyncset.s32 $0xFFFFF086  }
0x25: {  	[simem:s6], [sflag:s4] =	dma.local [hbm:s3], $0xF7A  }
0x26: {  	[smem:$0x3F9B] =	sst s1;
	(tag) =	ssettag s2;
	_ =	strace s9  }
0x27: {  	s1 =	sld [smem:$0x3FAB]  }
0x28: {  	s2 =	sld [smem:$0x3FAC]  }
0x29: {  	s4 =	sld [smem:$0x3FAE]  }
0x2a: {  	p0 =	seq.s32 s5, $0x0;
	s5 =	sld [smem:$0x3FAF]  }
0x2b: {  	s6 =	sld [smem:$0x3FB0]  }
0x2c: {  	s7 =	sld [smem:$0x3FB1]  }
0x2d: {  	s3 =	simm.s32 $0x108;
	s8 =	sld [smem:$0x3FB2]  }
0x2e: {  	s3 =	simm.s32 @!p0 $0x1082;
	s9 =	sld [smem:$0x3FB3]  }
0x2f: {  	lr =	sadd.s32 s0, s3;
	s0 =	sld [smem:$0x3FAA]  }
0x30: {  	s3 =	sld [smem:$0x3FAD]  }
0x31: {  	[smem:$0x3FB6] =	sst s10  }
0x32: {  	s10 =	sld [smem:$0x3FB4];
	_ =	sdelay $0x3  }
0x33: {  	p0 =	seq.s32 s10, $0x1;
	s10 =	sld [smem:$0x3FB6];
	_ =	sdelay $0x3  }
0x34: {  	[smem:$0x3FB6] =	sst s10  }
0x35: {  	s10 =	sld [smem:$0x3FB5];
	_ =	sdelay $0x3  }
0x36: {  	p1 =	seq.s32 s10, $0x1;
	s10 =	sld [smem:$0x3FB6];
	_ =	sdelay $0x3  }
0x37: {  	[smem:$0x3FB6] =	sst s10  }
0x38: {  	s10 =	sld [smem:$0x3FB7]  }
0x39: {  	_ = 	snop;
	(pc) =	sbr.ind lr, $3  }
0x3a: {  	_ = 	snop  }
0x3b: {  	_ = 	snop  }
0x3c: {  	p2 =	seq.s32 s10, $0x1;
	s10 =	sld [smem:$0x3FB6]  }
0x3d: {  	_ =	shalt  }
0x3e: {  	_ =	shalt  }
0x3f: {  	_ =	shalt  }
0x40: {  	_ =	shalt  }
0x41: {  	_ =	shalt  }
0x42: {  	_ =	shalt  }
0x43: {  	_ =	shalt  }
0x44: {  	_ =	shalt  }
0x45: {  	_ =	shalt  }
0x46: {  	_ =	shalt  }
0x47: {  	_ =	shalt  }
0x48: {  	_ =	shalt  }
0x49: {  	_ =	shalt  }
0x4a: {  	_ =	shalt  }
0x4b: {  	_ =	shalt  }
0x4c: {  	_ =	shalt  }
0x4d: {  	_ =	shalt  }
0x4e: {  	_ =	shalt  }
0x4f: {  	_ =	shalt  }
0x50: {  	_ =	shalt  }
0x51: {  	_ =	shalt  }
0x52: {  	_ =	shalt  }
0x53: {  	_ =	shalt  }
0x54: {  	_ =	shalt  }
0x55: {  	_ =	shalt  }
0x56: {  	_ =	shalt  }
0x57: {  	_ =	shalt  }
0x58: {  	_ =	shalt  }
0x59: {  	_ =	shalt  }
0x5a: {  	_ =	shalt  }
0x5b: {  	_ =	shalt  }
0x5c: {  	_ =	shalt  }
0x5d: {  	_ =	shalt  }
0x5e: {  	_ =	shalt  }
0x5f: {  	_ =	shalt  }
0x60: {  	_ =	shalt  }
0x61: {  	_ =	shalt  }
0x62: {  	_ =	shalt  }
0x63: {  	_ =	shalt  }
0x64: {  	_ =	shalt  }
0x65: {  	_ =	shalt  }
0x66: {  	_ =	shalt  }
0x67: {  	_ =	shalt  }
0x68: {  	_ =	shalt  }
0x69: {  	_ =	shalt  }
0x6a: {  	_ =	shalt  }
0x6b: {  	_ =	shalt  }
0x6c: {  	_ =	shalt  }
0x6d: {  	_ =	shalt  }
0x6e: {  	_ =	shalt  }
0x6f: {  	_ =	shalt  }
0x70: {  	_ =	shalt  }
0x71: {  	_ =	shalt  }
0x72: {  	_ =	shalt  }
0x73: {  	_ =	shalt  }
0x74: {  	_ =	shalt  }
0x75: {  	_ =	shalt  }
0x76: {  	_ =	shalt  }
0x77: {  	_ =	shalt  }
0x78: {  	_ =	shalt  }
0x79: {  	_ =	shalt  }
0x7a: {  	_ =	shalt  }
0x7b: {  	_ =	shalt  }
0x7c: {  	_ =	shalt  }
0x7d: {  	_ =	shalt  }
0x7e: {  	_ =	shalt  }
0x7f: {  	_ =	shalt  }
0x80: {  	_ =	shalt  }
0x81: {  	_ =	shalt  }
0x82: {  	_ =	shalt  }
0x83: {  	_ =	shalt  }
0x84: {  	_ =	shalt  }
0x85: {  	_ =	shalt  }
0x86: {  	_ =	shalt  }
0x87: {  	_ =	shalt  }
.Lfunc_end0:
.L_simem_size_0:
called_computation.1_lowered:
.L_overlay_start_0:
0x88: {  	s2 =	sld [smem:$0x3FD9]  }
0x89: {  	s3 =	sld [smem:$0x3FFE];
	_ =	sdelay $0x1  }
0x8a: {  	s1 =	srdreg.scid  }
0x8b: {  	s0 =	sand.u32 $0x1, s1  }
0x8c: {  	s17 =	sshll.u32 s0, $0xA;
	s2 =	sadd.s32 s3, s2  }
0x8d: {  	s2 =	sadd.s32 s2, s17  }
0x8e: {  	[smem:$0x3FC2] =	sst s2  }
0x8f: {  	_ = 	snop  }
0x90: {  	s2 =	sld [smem:$0x3FD0];
	(tm) =	ssettm $0x1  }
0x91: {  	s18 =	sld [smem:$0x3FFB];
	_ =	sdelay $0x3  }
0x92: {  	_ =	strace s18  }
0x93: {  	s3 =	sld [smem:$0x3FFC];
	_ =	sdelay $0x3  }
0x94: {  	_ =	strace s3  }
0x95: {  	s3 =	sld [smem:$0x3FFD];
	_ =	sdelay $0x3  }
0x96: {  	_ =	strace s3  }
0x97: {  	_ =	strace $0x8FFFFFFF  }
0x98: {  	s19 =	sld [smem:$0x3FDB];
	_ =	sdelay $0x1  }
0x99: {  	s4 =	simm.s32 $_scs_section_size  }
0x9a: {  	s5 =	simm.s32 $_size__tile_overlayer_lowered;
	s6 =	simm.s32 $_tile_overlayer_lowered  }
0x9b: {  	s22 =	simm.s32 $0x1BFF;
	s21 =	sshll.u32 s6, $0x1;
	s3 =	sadd.s32 s4, s19  }
0x9c: {  	s7 =	simm.s32 $0x0;
	s20 =	sshll.u32 s5, $0x1;
	s5 =	sadd.s32 s21, s3  }
0x9d: {  	[timem:s7], [sflag:s22] =	dma.local [hbm:s5], s20  }
0x9e: {  	_ =	swait.ge [sflag:s22], s20  }
0x9f: {  	s4 =	ssub.s32 $0x0, s20;
	[sflag:s22] =	ssyncset.done $0x0  }
0xa0: {  	[sflag:s22] =	ssyncadd.s32 s4;
	_ =	sdelay $0x1  }
0xa1: {  	s23 =	simm.s32 $0x1B8B  }
0xa2: {  	_ =	swait.ge [sflag:s23], $0x1  }
0xa3: {  	[sflag:s23] =	ssyncset.done $0x0  }
0xa4: {  	s25 =	simm.s32 $0x1B8E;
	s24 =	sld [smem:$0x3FFE];
	[sflag:s23] =	ssyncadd.s32 $0xFFFFFFFF  }
0xa5: {  	s26 =	simm.s32 $execute0_lowered;
	[smem:$0x3FD2] =	sst s25  }
0xa6: {  	s5 =	sshll.u32 s26, $0x1;
	_ =	strace $0x80000049;
	[dreg:$0x1] =	wrdreg $0xFFFFFFFF  }
0xa7: {  	s28 =	simm.s32 $_size_execute0_lowered;
	s3 =	sadd.s32 s3, s5;
	[dreg:$0x0] =	wrdreg $0x0  }
0xa8: {  	s5 =	sshll.u32 s28, $0x1;
	[dreg:$0x2] =	wrdreg s3  }
0xa9: {  	[dreg:$0x3] =	wrdreg s5  }
0xaa: {  	[dreg:$0x4] =	wrdreg $0xC0  }
0xab: {  	_ =	task [dreg:s7], $0x5FFFF  }
0xac: {  	[dreg:$0x1] =	wrdreg $0xFFFFFFFF  }
0xad: {  	[dreg:$0x0] =	wrdreg $0x60  }
0xae: {  	[dreg:$0x2] =	wrdreg s24  }
0xaf: {  	[dreg:$0x3] =	wrdreg s2  }
0xb0: {  	[dreg:$0x4] =	wrdreg $0x99200  }
0xb1: {  	[dreg:$0x5] =	wrdreg $0x9  }
0xb2: {  	_ =	task.clear_ibuf [dreg:s7], $0x6FFFF;
	_ =	strace $0x90000049  }
0xb3: {  	s29 =	simm.s32 $0x9;
	_ =	strace $0x8000004B  }
0xb4: {  	_ =	swait.ge [sflag:s29], $0x1  }
0xb5: {  	[sflag:s29] =	ssyncadd.s32 $0xFFFFFFFF  }
0xb6: {  	_ =	strace $0x9000004B  }
0xb7: {  	_ =	sfence  }
0xb8: {  	s30 =	sld [smem:$0x0];
	_ =	sdelay $0x2  }
0xb9: {  	s31 =	sshll.u32 s1, $0xD;
	s1 =	sshrl.u32 s1, $0x2  }
0xba: {  	s3 =	sand.u32 $0x4000, s31;
	s1 =	sadd.s32 s1, s30  }
0xbb: {  	s0 =	sor.u32 s3, s0;
	s1 =	sshll.u32 s1, $0x11  }
0xbc: {  	s0 =	sor.u32 s1, s0  }
0xbd: {  	s0 =	sadd.s32 $0x8F2B, s0  }
0xbe: {  	[sflag:s0] =	ssyncadd.remote.s32 $0x1  }
0xbf: {  	_ =	sfence.sel $0xFFFF  }
0xc0: {  	[dreg:$0x0] =	wrdreg $0xFFFFFFFF;
	(pc) =	sbr.abs _section_cstart, $3  }
0xc1: {  	[dreg:$0x1] =	wrdreg $0xFFFFFFFF  }
0xc2: {  	_ =	task.clear_ibuf [dreg:s7], $0x2FFFF;
	_ =	strace $0x9FFFFFFF  }
0xc3: {  	(tm) =	ssettm $0x7FFFFFFF  }
tec
execute0_lowered:
.L_overlay_start_1:
0x0: {  	(tag) =	ssettag $0x1  }
0x1: {  	s0 =	rddreg [dreg:$0x0]  }
0x2: {  	s2 =	rddreg [dreg:$0x1];
	s12 =	stileid.u32  }
0x3: {  	s1 =	rddreg [dreg:$0x2];
	s3 =	simm.s32 $0x0;
	s8 =	smul.u32 $0x1900, s12  }
0x4: {  	s4 =	srdreg.scid;
	s28 =	simm.s32 $0x8;
	s11 =	smul.u32 $0x32000, s12  }
0x5: {  	[smem:$0x7FF] =	sst s3;
	s6 =	sand.u32 $0x1, s4;
	s24 =	smul.u32 $0x61A8, s12  }
0x6: {  	s7 =	smul.u32 $0x19000, s6;
	s4 =	sshll.u32 s6, $0x4;
	s9 =	ssub.s32 $0x2, s6  }
0x7: {  	_ =	strace $0x8000004A;
	s21 =	smul.u32 $0x61A80, s6;
	s30 =	sshrl.u32 s9, $0x1  }
0x8: {  	s5 =	sor.u32 s12, s4;
	s20 =	sshrl.u32 s11, $0x2;
	s31 =	ssub.s32 s9, s30  }
0x9: {  	s4 =	sadd.s32 $0x1A200, s0;
	s11 =	sadd.s32 s20, s1;
	s22 =	smax.u32 s31, $0x1  }
0xa: {  	s10 =	smul.u32 $0x61A8, s5;
	s23 =	sadd.s32 $0xC80, s11;
	[dreg:$0x8] =	wrdreg s22  }
0xb: {  	s5 =	sadd.s32 $0x1A00, s0;
	s25 =	sadd.s32 $0x1900, s11;
	[dreg:$0x9] =	wrdreg s23  }
0xc: {  	s7 =	sadd.s32 s8, s7;
	s26 =	sadd.s32 $0x2580, s11;
	[dreg:$0xa] =	wrdreg s25  }
0xd: {  	s0 =	sadd.s32 s7, s0;
	s29 =	sadd.s32 $0x3200, s11;
	[dreg:$0xb] =	wrdreg s26  }
0xe: {  	s30 =	sadd.s32 $0x3E80, s11;
	s31 =	sadd.s32 $0x4B00, s11;
	[dreg:$0xc] =	wrdreg s29  }
0xf: {  	s7 =	sadd.s32 $0xBB80, s11;
	s15 =	sadd.s32 $0x3E8, s10;
	[dreg:$0xd] =	wrdreg s30  }
0x10: {  	s16 =	sshrl.u32 s10, $0x3;
	s0 =	sadd.s32 $0x32A00, s0;
	[dreg:$0xe] =	wrdreg s31  }
0x11: {  	s18 =	sadd.s32 $0xBB8, s10;
	s23 =	sadd.s32 $0x6400, s11;
	[dreg:$0x7] =	wrdreg s0  }
0x12: {  	s25 =	sadd.s32 $0x7080, s11;
	s26 =	sadd.s32 $0x7D00, s11;
	[dreg:$0x13] =	wrdreg s23  }
0x13: {  	s29 =	sadd.s32 $0x8980, s11;
	s30 =	sadd.s32 $0x9600, s11;
	[dreg:$0x14] =	wrdreg s25  }
0x14: {  	s31 =	sadd.s32 $0xA280, s11;
	s8 =	sshrl.u32 s15, $0x3;
	[dreg:$0x15] =	wrdreg s26  }
0x15: {  	s13 =	sadd.s32 s2, s16;
	s17 =	sadd.s32 s5, s16;
	[dreg:$0x16] =	wrdreg s29  }
0x16: {  	s0 =	sadd.s32 s24, s21;
	s10 =	sshrl.u32 s18, $0x3;
	[dreg:$0x17] =	wrdreg s30  }
0x17: {  	s18 =	sadd.s32 $0x5780, s11;
	[dreg:$0x18] =	wrdreg s31;
	s23 =	simm.s32 $0x4  }
0x18: {  	s26 =	simm.s32 $0x7;
	s25 =	simm.s32 $0x0;
	s14 =	sadd.s32 s2, s8  }
0x19: {  	[dreg:$0x5] =	wrdreg s17;
	s19 =	sadd.s32 $0xBB8, s17;
	s12 =	sadd.s32 $0x1388, s0  }
0x1a: {  	s6 =	sadd.s32 s2, s10;
	s17 =	sadd.s32 $0xBB8, s0;
	[dreg:$0x10] =	wrdreg s18  }
0x1b: {  	s9 =	sadd.s32 $0xFA, s13;
	s10 =	simm.s32 $0x3E8;
	[dreg:$0x4] =	wrdreg s14  }
0x1c: {  	s18 =	simm.s32 $0x4E20;
	[dreg:$0x6] =	wrdreg s19;
	s14 =	sadd.s32 $0xFA0, s0  }
0x1d: {  	[dreg:$0xf] =	wrdreg s6;
	s15 =	sshrl.u32 s12, $0x3;
	s19 =	sadd.s32 s5, s8  }
0x1e: {  	s22 =	sshrl.u32 s17, $0x3;
	s0 =	sadd.s32 $0x7D0, s0;
	s6 =	simm.s32 $0x8CA0  }
0x1f: {  	s12 =	simm.s32 $0x9;
	s8 =	simm.s32 $0xFA0;
	s17 =	simm.s32 $0x2  }
.Ltmp0:
0x20: {  	s16 =	sshrl.u32 s14, $0x3;
	[dreg:$0x11] =	wrdreg s19;
	(pc) =	sbr.rel .LBB2_1-.Ltmp0, $4  }
0x21: {  	s20 =	sadd.s32 s15, s2;
	s24 =	sadd.s32 s22, s5;
	[dreg:$0x12] =	wrdreg s0  }
0x22: {  	s0 =	smov.u32 s13;
	s13 =	simm.s32 $0x1;
	s14 =	simm.s32 $0x7D0  }
0x23: {  	s15 =	simm.s32 $0x5;
	s19 =	simm.s32 $0xBB8;
	s22 =	simm.s32 $0x6  }
0x24: {  	v0 =	vimm.f32 $0.0e+00;
	s21 =	sadd.s32 s16, s2;
	s2 =	sadd.s32 $0xAF00, s11;
	s16 =	simm.s32 $0x3  }
.LBB2_6:
0x25: {  	_ =	swait.ge [sflag:s26], $0x3E80  }
0x26: {  	[sflag:s26] =	ssyncset.done $0x0  }
0x27: {  	[sflag:s26] =	ssyncadd.s32 $0xFFFFC180  }
0x28: {  	_ =	swait.ge [sflag:s13], $0x3E8  }
0x29: {  	[sflag:s13] =	ssyncset.done $0x0  }
0x2a: {  	[sflag:s13] =	ssyncadd.s32 $0xFFFFFC18  }
0x2b: {  	[tilespmem:s8], [sflag:$0x5] =	stream.indirect.gather [hbm4b:s4+s10], $0x10, s3, s10, $0xb8;
	[tilespmem:$0x16120] =	vst v63  }
0x2c: {  	s29 =	rddreg [dreg:$0x6]  }
0x2d: {  	[tilespmem:s14], [sflag:$0x3] =	stream.linear.gather [hbm4b:s29+s3], $0x3E8, $0x38;
	[tilespmem:$0x16120] =	vst v63  }
0x2e: {  	_ =	swait.ge [sflag:s15], $0x3E80  }
0x2f: {  	[sflag:s15] =	ssyncset.done $0x0  }
0x30: {  	[sflag:s15] =	ssyncadd.s32 $0xFFFFC180  }
0x31: {  	_ =	swait.ge [sflag:s16], $0x3E8  }
0x32: {  	[sflag:s16] =	ssyncset.done $0x0  }
0x33: {  	[sflag:s16] =	ssyncadd.s32 $0xFFFFFC18  }
0x34: {  	[spmem:s1] =	stream.indirect.scatter.add.f32 [tilespmem:s8], [sflag:$0x7], $0x10, s14, s10, $0xb8;
	[tilespmem:$0x16120] =	vst v63  }
0x35: {  	_ =	swait.ge [sflag:s26], $0x3E80  }
0x36: {  	[sflag:s26] =	ssyncset.done $0x0  }
0x37: {  	[sflag:s26] =	ssyncadd.s32 $0xFFFFC180  }
0x38: {  	_ =	swait.ge [sflag:s28], $0x3E80  }
0x39: {  	[sflag:s28] =	ssyncset.done $0x0  }
0x3a: {  	s30 =	stileid.u32;
	[sflag:s28] =	ssyncadd.s32 $0xFFFFC180  }
0x3b: {  	s29 =	sshll.u32 s30, $0x6;
	[bflag:$0x0] =	sbarrier.arrive $0xFFFF  }
0x3c: {  	s30 =	sshrl.u32 s11, $0x3;
	s29 =	sor.u32 $0x1C09, s29;
	s31 =	rddreg [dreg:$0x7]  }
0x3d: {  	[hbm:s31], [sflag:s29] =	dma.local [spmem:s30], $0x1900  }
0x3e: {  	_ =	swait.ge [sflag:s12], $0x1900  }
0x3f: {  	s25 =	sadd.s32 $0x1, s25;
	s31 =	rddreg [dreg:$0x8]  }
0x40: {  	p0 =	sne.s32 s25, s31  }
.Ltmp1:
0x41: {  	_ = 	snop;
	(pc) =	sbr.rel @!p0 .LBB2_7-.Ltmp1, $3  }
0x42: {  	_ =	sdelay $0x1  }
0x43: {  	[sflag:s12] =	ssyncset.done $0x0  }
0x44: {  	[sflag:s12] =	ssyncadd.s32 $0xFFFFE700  }
.LBB2_1:
0x45: {  	[tilespmem:s3], [sflag:$0x1] =	stream.linear.gather [hbm4b:s0+s3], $0x3E8, $0x38;
	[tilespmem:$0x16120] =	vst v63  }
0x46: {  	s29 =	rddreg [dreg:$0x4]  }
0x47: {  	[tilespmem:s10], [sflag:$0x2] =	stream.linear.gather [hbm4b:s29+s3], $0x3E8, $0x38;
	[tilespmem:$0x16120] =	vst v63  }
0x48: {  	s30 =	simm.s32 $0x0;
	s29 =	simm.s32 $0x40  }
.LBB2_2:
0x49: {  	p0 =	sne.s32 s29, $0x31C0;
	[tilespmem:s30+$0x8CA0] =	vst v0;
	s30 =	smov.u32 s29;
	s29 =	sadd.s32 $0x40, s29  }
.Ltmp2:
0x4a: {  	(pc) =	sbr.rel @p0 .LBB2_2-.Ltmp2, $2  }
0x4b: {  	_ =	sdelay $0x2  }
0x4c: {  	s30 =	sshra.s32 s30, $0x2  }
0x4d: {  	[tilespmem:s30+$0x8CA0] =	vst v0  }
0x4e: {  	[spmem:s11] =	stream.linear.scatter [tilespmem:s6], [sflag:$0x9], $0xC80, $0x38;
	[tilespmem:$0x16120] =	vst v63  }
0x4f: {  	_ =	swait.ge [sflag:s12], $0xC80  }
0x50: {  	[sflag:s12] =	ssyncset.done $0x0  }
0x51: {  	s29 =	rddreg [dreg:$0x9];
	[sflag:s12] =	ssyncadd.s32 $0xFFFFF380  }
0x52: {  	[spmem:s29] =	stream.linear.scatter [tilespmem:s6], [sflag:$0x9], $0xC80, $0x38;
	[tilespmem:$0x16120] =	vst v63  }
0x53: {  	_ =	swait.ge [sflag:s12], $0xC80  }
0x54: {  	[sflag:s12] =	ssyncset.done $0x0  }
0x55: {  	s29 =	rddreg [dreg:$0xa];
	[sflag:s12] =	ssyncadd.s32 $0xFFFFF380  }
0x56: {  	[spmem:s29] =	stream.linear.scatter [tilespmem:s6], [sflag:$0x9], $0xC80, $0x38;
	[tilespmem:$0x16120] =	vst v63  }
0x57: {  	_ =	swait.ge [sflag:s12], $0xC80  }
0x58: {  	[sflag:s12] =	ssyncset.done $0x0  }
0x59: {  	s29 =	rddreg [dreg:$0xb];
	[sflag:s12] =	ssyncadd.s32 $0xFFFFF380  }
0x5a: {  	[spmem:s29] =	stream.linear.scatter [tilespmem:s6], [sflag:$0x9], $0xC80, $0x38;
	[tilespmem:$0x16120] =	vst v63  }
0x5b: {  	_ =	swait.ge [sflag:s12], $0xC80  }
0x5c: {  	[sflag:s12] =	ssyncset.done $0x0  }
0x5d: {  	s29 =	rddreg [dreg:$0xc];
	[sflag:s12] =	ssyncadd.s32 $0xFFFFF380  }
0x5e: {  	[spmem:s29] =	stream.linear.scatter [tilespmem:s6], [sflag:$0x9], $0xC80, $0x38;
	[tilespmem:$0x16120] =	vst v63  }
0x5f: {  	_ =	swait.ge [sflag:s12], $0xC80  }
0x60: {  	[sflag:s12] =	ssyncset.done $0x0  }
0x61: {  	s29 =	rddreg [dreg:$0xd];
	[sflag:s12] =	ssyncadd.s32 $0xFFFFF380  }
0x62: {  	[spmem:s29] =	stream.linear.scatter [tilespmem:s6], [sflag:$0x9], $0xC80, $0x38;
	[tilespmem:$0x16120] =	vst v63  }
0x63: {  	_ =	swait.ge [sflag:s12], $0xC80  }
0x64: {  	[sflag:s12] =	ssyncset.done $0x0  }
0x65: {  	s29 =	rddreg [dreg:$0xe];
	[sflag:s12] =	ssyncadd.s32 $0xFFFFF380  }
0x66: {  	[spmem:s29] =	stream.linear.scatter [tilespmem:s6], [sflag:$0x9], $0xC80, $0x38;
	[tilespmem:$0x16120] =	vst v63  }
0x67: {  	_ =	swait.ge [sflag:s12], $0xC80  }
0x68: {  	[sflag:s12] =	ssyncset.done $0x0  }
0x69: {  	s29 =	rddreg [dreg:$0x10];
	[sflag:s12] =	ssyncadd.s32 $0xFFFFF380  }
0x6a: {  	[spmem:s29] =	stream.linear.scatter [tilespmem:s6], [sflag:$0x9], $0xC80, $0x38;
	[tilespmem:$0x16120] =	vst v63  }
0x6b: {  	_ =	swait.ge [sflag:s12], $0xC80  }
0x6c: {  	[sflag:s12] =	ssyncset.done $0x0  }
0x6d: {  	s29 =	rddreg [dreg:$0x13];
	[sflag:s12] =	ssyncadd.s32 $0xFFFFF380  }
0x6e: {  	[spmem:s29] =	stream.linear.scatter [tilespmem:s6], [sflag:$0x9], $0xC80, $0x38;
	[tilespmem:$0x16120] =	vst v63  }
0x6f: {  	_ =	swait.ge [sflag:s12], $0xC80  }
0x70: {  	[sflag:s12] =	ssyncset.done $0x0  }
0x71: {  	s29 =	rddreg [dreg:$0x14];
	[sflag:s12] =	ssyncadd.s32 $0xFFFFF380  }
0x72: {  	[spmem:s29] =	stream.linear.scatter [tilespmem:s6], [sflag:$0x9], $0xC80, $0x38;
	[tilespmem:$0x16120] =	vst v63  }
0x73: {  	_ =	swait.ge [sflag:s12], $0xC80  }
0x74: {  	[sflag:s12] =	ssyncset.done $0x0  }
0x75: {  	s29 =	rddreg [dreg:$0x15];
	[sflag:s12] =	ssyncadd.s32 $0xFFFFF380  }
0x76: {  	[spmem:s29] =	stream.linear.scatter [tilespmem:s6], [sflag:$0x9], $0xC80, $0x38;
	[tilespmem:$0x16120] =	vst v63  }
0x77: {  	_ =	swait.ge [sflag:s12], $0xC80  }
0x78: {  	[sflag:s12] =	ssyncset.done $0x0  }
0x79: {  	s29 =	rddreg [dreg:$0x16];
	[sflag:s12] =	ssyncadd.s32 $0xFFFFF380  }
0x7a: {  	[spmem:s29] =	stream.linear.scatter [tilespmem:s6], [sflag:$0x9], $0xC80, $0x38;
	[tilespmem:$0x16120] =	vst v63  }
0x7b: {  	_ =	swait.ge [sflag:s12], $0xC80  }
0x7c: {  	[sflag:s12] =	ssyncset.done $0x0  }
0x7d: {  	s29 =	rddreg [dreg:$0x17];
	[sflag:s12] =	ssyncadd.s32 $0xFFFFF380  }
0x7e: {  	[spmem:s29] =	stream.linear.scatter [tilespmem:s6], [sflag:$0x9], $0xC80, $0x38;
	[tilespmem:$0x16120] =	vst v63  }
0x7f: {  	_ =	swait.ge [sflag:s12], $0xC80  }
0x80: {  	[sflag:s12] =	ssyncset.done $0x0  }
0x81: {  	s29 =	rddreg [dreg:$0x18];
	[sflag:s12] =	ssyncadd.s32 $0xFFFFF380  }
0x82: {  	[spmem:s29] =	stream.linear.scatter [tilespmem:s6], [sflag:$0x9], $0xC80, $0x38;
	[tilespmem:$0x16120] =	vst v63  }
0x83: {  	_ =	swait.ge [sflag:s12], $0xC80  }
0x84: {  	[sflag:s12] =	ssyncset.done $0x0  }
0x85: {  	[sflag:s12] =	ssyncadd.s32 $0xFFFFF380  }
0x86: {  	[spmem:s2] =	stream.linear.scatter [tilespmem:s6], [sflag:$0x9], $0xC80, $0x38;
	[tilespmem:$0x16120] =	vst v63  }
0x87: {  	_ =	swait.ge [sflag:s12], $0xC80  }
0x88: {  	[sflag:s12] =	ssyncset.done $0x0  }
0x89: {  	[sflag:s12] =	ssyncadd.s32 $0xFFFFF380  }
0x8a: {  	[spmem:s7] =	stream.linear.scatter [tilespmem:s6], [sflag:$0x9], $0xC80, $0x38;
	[tilespmem:$0x16120] =	vst v63  }
0x8b: {  	_ =	swait.ge [sflag:s12], $0xC80  }
0x8c: {  	[sflag:s12] =	ssyncset.done $0x0  }
0x8d: {  	[sflag:s12] =	ssyncadd.s32 $0xFFFFF380  }
0x8e: {  	[bflag:$0x0] =	sbarrier.arrive $0xFFFF  }
0x8f: {  	_ =	swait.ge [sflag:s13], $0x3E8  }
0x90: {  	[sflag:s13] =	ssyncset.done $0x0  }
0x91: {  	s29 =	simm.s32 $0x0;
	[sflag:s13] =	ssyncadd.s32 $0xFFFFFC18  }
0x92: {  	[tilespmem:s8], [sflag:$0x5] =	stream.indirect.gather [hbm4b:s4+s10], $0x10, s29, s10, $0xb8;
	[tilespmem:$0x16120] =	vst v63  }
0x93: {  	s30 =	rddreg [dreg:$0x5]  }
0x94: {  	[tilespmem:s14], [sflag:$0x3] =	stream.linear.gather [hbm4b:s30+s29], $0x3E8, $0x38;
	[tilespmem:$0x16120] =	vst v63  }
0x95: {  	_ =	swait.ge [sflag:s15], $0x3E80  }
0x96: {  	[sflag:s15] =	ssyncset.done $0x0  }
0x97: {  	[sflag:s15] =	ssyncadd.s32 $0xFFFFC180  }
0x98: {  	_ =	swait.ge [sflag:s16], $0x3E8  }
0x99: {  	[sflag:s16] =	ssyncset.done $0x0  }
0x9a: {  	[sflag:s16] =	ssyncadd.s32 $0xFFFFFC18  }
0x9b: {  	[spmem:s1] =	stream.indirect.scatter.add.f32 [tilespmem:s8], [sflag:$0x7], $0x10, s14, s10, $0xb8;
	[tilespmem:$0x16120] =	vst v63  }
0x9c: {  	_ = 	snop  }
0x9d: {  	[tilespmem:s29], [sflag:$0x1] =	stream.linear.gather [hbm4b:s9+s29], $0x3E8, $0x38;
	[tilespmem:$0x16120] =	vst v63  }
0x9e: {  	_ =	swait.ge [sflag:s17], $0x3E8  }
0x9f: {  	[sflag:s17] =	ssyncset.done $0x0  }
0xa0: {  	[sflag:s17] =	ssyncadd.s32 $0xFFFFFC18  }
0xa1: {  	[tilespmem:s18], [sflag:$0x6] =	stream.indirect.gather [hbm4b:s4+s10], $0x10, s10, s10, $0xb8;
	[tilespmem:$0x16120] =	vst v63  }
0xa2: {  	s30 =	rddreg [dreg:$0x11]  }
0xa3: {  	[tilespmem:s19], [sflag:$0x4] =	stream.linear.gather [hbm4b:s30+s29], $0x3E8, $0x38;
	[tilespmem:$0x16120] =	vst v63  }
0xa4: {  	_ =	swait.ge [sflag:s22], $0x3E80  }
0xa5: {  	[sflag:s22] =	ssyncset.done $0x0  }
0xa6: {  	[sflag:s22] =	ssyncadd.s32 $0xFFFFC180  }
0xa7: {  	_ =	swait.ge [sflag:s23], $0x3E8  }
0xa8: {  	[sflag:s23] =	ssyncset.done $0x0  }
0xa9: {  	[sflag:s23] =	ssyncadd.s32 $0xFFFFFC18  }
0xaa: {  	[spmem:s1] =	stream.indirect.scatter.add.f32 [tilespmem:s18], [sflag:$0x8], $0x10, s19, s10, $0xb8;
	[tilespmem:$0x16120] =	vst v63  }
0xab: {  	s30 =	rddreg [dreg:$0xf]  }
0xac: {  	[tilespmem:s10], [sflag:$0x2] =	stream.linear.gather [hbm4b:s30+s29], $0x3E8, $0x38;
	[tilespmem:$0x16120] =	vst v63  }
0xad: {  	s30 =	rddreg [dreg:$0x12]  }
.LBB2_4:
0xae: {  	_ =	swait.ge [sflag:s26], $0x3E80  }
0xaf: {  	[sflag:s26] =	ssyncset.done $0x0  }
0xb0: {  	[sflag:s26] =	ssyncadd.s32 $0xFFFFC180  }
0xb1: {  	_ =	swait.ge [sflag:s13], $0x3E8  }
0xb2: {  	[sflag:s13] =	ssyncset.done $0x0  }
0xb3: {  	s31 =	sshrl.u32 s30, $0x3;
	[sflag:s13] =	ssyncadd.s32 $0xFFFFFC18  }
0xb4: {  	[tilespmem:s8], [sflag:$0x5] =	stream.indirect.gather [hbm4b:s4+s10], $0x10, s3, s10, $0xb8;
	[tilespmem:$0x16120] =	vst v63  }
0xb5: {  	s31 =	sadd.s32 s5, s31  }
0xb6: {  	[tilespmem:s14], [sflag:$0x3] =	stream.linear.gather [hbm4b:s31+s3], $0x3E8, $0x38;
	[tilespmem:$0x16120] =	vst v63  }
0xb7: {  	_ =	swait.ge [sflag:s15], $0x3E80  }
0xb8: {  	[sflag:s15] =	ssyncset.done $0x0  }
0xb9: {  	[sflag:s15] =	ssyncadd.s32 $0xFFFFC180  }
0xba: {  	_ =	swait.ge [sflag:s16], $0x3E8  }
0xbb: {  	[sflag:s16] =	ssyncset.done $0x0  }
0xbc: {  	[sflag:s16] =	ssyncadd.s32 $0xFFFFFC18  }
0xbd: {  	[spmem:s1] =	stream.indirect.scatter.add.f32 [tilespmem:s8], [sflag:$0x7], $0x10, s14, s10, $0xb8;
	[tilespmem:$0x16120] =	vst v63  }
0xbe: {  	s31 =	sadd.s32 s29, s21  }
0xbf: {  	[tilespmem:s3], [sflag:$0x1] =	stream.linear.gather [hbm4b:s31+s3], $0x3E8, $0x38;
	[tilespmem:$0x16120] =	vst v63  }
0xc0: {  	_ =	swait.ge [sflag:s28], $0x3E80  }
0xc1: {  	[sflag:s28] =	ssyncset.done $0x0  }
0xc2: {  	[sflag:s28] =	ssyncadd.s32 $0xFFFFC180  }
0xc3: {  	_ =	swait.ge [sflag:s17], $0x3E8  }
0xc4: {  	[sflag:s17] =	ssyncset.done $0x0  }
0xc5: {  	[sflag:s17] =	ssyncadd.s32 $0xFFFFFC18  }
0xc6: {  	[tilespmem:s18], [sflag:$0x6] =	stream.indirect.gather [hbm4b:s4+s10], $0x10, s10, s10, $0xb8;
	[tilespmem:$0x16120] =	vst v63  }
0xc7: {  	s31 =	sadd.s32 s29, s24  }
0xc8: {  	[tilespmem:s19], [sflag:$0x4] =	stream.linear.gather [hbm4b:s31+s3], $0x3E8, $0x38;
	[tilespmem:$0x16120] =	vst v63  }
0xc9: {  	_ =	swait.ge [sflag:s22], $0x3E80  }
0xca: {  	p0 =	seq.s32 s29, $0x9C4;
	[sflag:s22] =	ssyncset.done $0x0  }
.Ltmp3:
0xcb: {  	[sflag:s22] =	ssyncadd.s32 $0xFFFFC180;
	(pc) =	sbr.rel @p0 .LBB2_6-.Ltmp3, $4  }
0xcc: {  	_ =	swait.ge [sflag:s23], $0x3E8  }
0xcd: {  	[sflag:s23] =	ssyncset.done $0x0  }
0xce: {  	[sflag:s23] =	ssyncadd.s32 $0xFFFFFC18  }
0xcf: {  	[spmem:s1] =	stream.indirect.scatter.add.f32 [tilespmem:s18], [sflag:$0x8], $0x10, s19, s10, $0xb8;
	[tilespmem:$0x16120] =	vst v63  }
.Ltmp4:
0xd0: {  	(pc) =	sbr.rel .LBB2_4-.Ltmp4, $3  }
0xd1: {  	_ =	sdelay $0x1  }
0xd2: {  	s31 =	sadd.s32 s29, s20;
	s29 =	sadd.s32 $0xFA, s29;
	s30 =	sadd.s32 $0x7D0, s30  }
0xd3: {  	[tilespmem:s10], [sflag:$0x2] =	stream.linear.gather [hbm4b:s31+s3], $0x3E8, $0x38;
	[tilespmem:$0x16120] =	vst v63  }
.LBB2_7:
0xd4: {  	_ =	sfence.sel $0x180000  }
0xd5: {  	[bflag:$0x0] =	sbarrier.arrive $0xFFFF  }
0xd6: {  	_ =	strace $0x9000004A  }
0xd7: {  	s0 =	stileid.u32;
	[bflag:$0x2] =	sbarrier.arrive $0xFFFF  }
0xd8: {  	p0 =	sne.s32 s0, $0x0;
	s0 =	rddreg [dreg:$0x3]  }
0xd9: {  	s0 =	sadd.s32 @!p0 $0x100000, s0  }
0xda: {  	[sflag:s0] =	ssyncadd.tile.s32 @!p0 $0x1;
	_ =	shalt  }
.Lfunc_end2:
_tile_overlayer_lowered:
.L_overlay_start_2:
0xdb: {  	(tag) =	ssettag $0x2  }
0xdc: {  	s0 =	rddreg [dreg:$0x0];
	s2 =	stileid.u32  }
0xdd: {  	s1 =	rddreg [dreg:$0x1];
	p0 =	sne.s32 s2, $0x0  }
0xde: {  	s3 =	rddreg [dreg:$0x2];
	[bflag:$0x3] =	sbarrier.arrive $0xFFFF;
	s2 =	simm.s32 @!p0 $0x1C09  }
0xdf: {  	[timem:s3], [sflag:s2] =	dma.local @!p0 [hbm:s0], s1  }
0xe0: {  	s0 =	simm.s32 @!p0 $0x9  }
0xe1: {  	_ =	swait.ge @!p0 [sflag:s0], s1  }
0xe2: {  	s1 =	ssub.s32 @!p0 $0x0, s1;
	[sflag:s0] =	ssyncset.done @!p0 $0x0  }
0xe3: {  	[sflag:s0] =	ssyncadd.s32 @!p0 s1  }
0xe4: {  	[bflag:$0x3] =	sbarrier.arrive $0xFFFF  }
0xe5: {  	_ =	shalt  }

// kernel: kernel.15.cloned.1.call-start
scs
__scs_entry_jumppad:
0x0: {  	(pc) =	sbr.rel $0x88, $3  }
0x1: {  	(tag) =	ssettag $0x0;
	lr =	simm.s32 $0x1  }
0x2: {  	[smem:$0x3F9B] =	sst lr;
	_ =	strace $0xD0000000  }
0x3: {  	_ = 	snop  }
0x4: {  	_ = 	snop  }
0x5: {  	_ = 	snop  }
0x6: {  	_ = 	snop  }
0x7: {  	_ = 	snop  }
__scs_overlays_trampoline_lowered:
0x8: {  	[smem:$0x3FAA] =	sst s0  }
0x9: {  	[smem:$0x3FAB] =	sst s1  }
0xa: {  	[smem:$0x3FAC] =	sst s2  }
0xb: {  	[smem:$0x3FAD] =	sst s3  }
0xc: {  	[smem:$0x3FAE] =	sst s4  }
0xd: {  	[smem:$0x3FAF] =	sst s5  }
0xe: {  	[smem:$0x3FB0] =	sst s6  }
0xf: {  	[smem:$0x3FB1] =	sst s7  }
0x10: {  	[smem:$0x3FB2] =	sst s8  }
0x11: {  	[smem:$0x3FB3] =	sst s9;
	s0 =	simm.s32 @!p0 $0x0  }
0x12: {  	s1 =	sld [smem:$0x3F99];
	s0 =	simm.s32 @p0 $0x1  }
0x13: {  	[smem:$0x3FB4] =	sst s0;
	s0 =	simm.s32 @!p1 $0x0  }
0x14: {  	s2 =	sld [smem:$0x3F98];
	s0 =	simm.s32 @p1 $0x1  }
0x15: {  	[smem:$0x3FB5] =	sst s0;
	s0 =	simm.s32 @!p2 $0x0  }
0x16: {  	s3 =	sld [smem:$0x3FDB];
	s0 =	simm.s32 @p2 $0x1  }
0x17: {  	s4 =	simm.s32 $0x1BF5;
	[smem:$0x3FB7] =	sst s0  }
0x18: {  	s0 =	sld [smem:$0x3F9A];
	_ =	swait.ge [sflag:s4], $0x0  }
0x19: {  	s7 =	sld [smem:$0x3F9B]  }
0x1a: {  	s8 =	sadd.s32 $0xFFFFE003, lr  }
0x1b: {  	s9 =	sadd.s32 $0xFFFFFEF7, lr;
	s5 =	simm.s32 $0xFFFFFFFF;
	p2 =	slt.u32 s8, $0xFFFFF086  }
0x1c: {  	p1 =	slt.u32 s9, $0xF7A;
	s5 =	simm.s32 @!p2 $0x0  }
0x1d: {  	s5 =	simm.s32 @p1 $0x1;
	p0 =	seq.s32 s7, s2  }
0x1e: {  	s7 =	smul.u32 @!p0 $0xF7A, s2;
	p2 =	seq.s32 @!p0 s5, $0x0  }
0x1f: {  	s9 =	smul.u32 $0xF7A, s1;
	s8 =	simm.s32 @!p0 $0x1BF5;
	p2 =	por !p2, p0  }
0x20: {  	[sflag:s8] =	ssyncset.s32 @!p0 $0xFFFFF086;
	s6 =	sadd.s32 @!p0 s3, s7;
	s7 =	simm.s32 @!p0 $0x108  }
0x21: {  	s3 =	sadd.s32 s3, s9;
	s6 =	sadd.s32 @!p0 $0x88, s6;
	s7 =	simm.s32 @p2 $0x1082  }
0x22: {  	[simem:s7], [sflag:s8] =	dma.local @!p0 [hbm:s6], $0xF7A  }
0x23: {  	s9 =	sor.u32 $0xD0000000, s2;
	s6 =	simm.s32 $0x108;
	_ =	swait.ge @!p0 [sflag:s8], $0x0  }
0x24: {  	s3 =	sadd.s32 $0x88, s3;
	s6 =	simm.s32 @!p1 $0x1082;
	[sflag:s4] =	ssyncset.s32 $0xFFFFF086  }
0x25: {  	[simem:s6], [sflag:s4] =	dma.local [hbm:s3], $0xF7A  }
0x26: {  	[smem:$0x3F9B] =	sst s1;
	(tag) =	ssettag s2;
	_ =	strace s9  }
0x27: {  	s1 =	sld [smem:$0x3FAB]  }
0x28: {  	s2 =	sld [smem:$0x3FAC]  }
0x29: {  	s4 =	sld [smem:$0x3FAE]  }
0x2a: {  	p0 =	seq.s32 s5, $0x0;
	s5 =	sld [smem:$0x3FAF]  }
0x2b: {  	s6 =	sld [smem:$0x3FB0]  }
0x2c: {  	s7 =	sld [smem:$0x3FB1]  }
0x2d: {  	s3 =	simm.s32 $0x108;
	s8 =	sld [smem:$0x3FB2]  }
0x2e: {  	s3 =	simm.s32 @!p0 $0x1082;
	s9 =	sld [smem:$0x3FB3]  }
0x2f: {  	lr =	sadd.s32 s0, s3;
	s0 =	sld [smem:$0x3FAA]  }
0x30: {  	s3 =	sld [smem:$0x3FAD]  }
0x31: {  	[smem:$0x3FB6] =	sst s10  }
0x32: {  	s10 =	sld [smem:$0x3FB4];
	_ =	sdelay $0x3  }
0x33: {  	p0 =	seq.s32 s10, $0x1;
	s10 =	sld [smem:$0x3FB6];
	_ =	sdelay $0x3  }
0x34: {  	[smem:$0x3FB6] =	sst s10  }
0x35: {  	s10 =	sld [smem:$0x3FB5];
	_ =	sdelay $0x3  }
0x36: {  	p1 =	seq.s32 s10, $0x1;
	s10 =	sld [smem:$0x3FB6];
	_ =	sdelay $0x3  }
0x37: {  	[smem:$0x3FB6] =	sst s10  }
0x38: {  	s10 =	sld [smem:$0x3FB7]  }
0x39: {  	_ = 	snop;
	(pc) =	sbr.ind lr, $3  }
0x3a: {  	_ = 	snop  }
0x3b: {  	_ = 	snop  }
0x3c: {  	p2 =	seq.s32 s10, $0x1;
	s10 =	sld [smem:$0x3FB6]  }
0x3d: {  	_ =	shalt  }
0x3e: {  	_ =	shalt  }
0x3f: {  	_ =	shalt  }
0x40: {  	_ =	shalt  }
0x41: {  	_ =	shalt  }
0x42: {  	_ =	shalt  }
0x43: {  	_ =	shalt  }
0x44: {  	_ =	shalt  }
0x45: {  	_ =	shalt  }
0x46: {  	_ =	shalt  }
0x47: {  	_ =	shalt  }
0x48: {  	_ =	shalt  }
0x49: {  	_ =	shalt  }
0x4a: {  	_ =	shalt  }
0x4b: {  	_ =	shalt  }
0x4c: {  	_ =	shalt  }
0x4d: {  	_ =	shalt  }
0x4e: {  	_ =	shalt  }
0x4f: {  	_ =	shalt  }
0x50: {  	_ =	shalt  }
0x51: {  	_ =	shalt  }
0x52: {  	_ =	shalt  }
0x53: {  	_ =	shalt  }
0x54: {  	_ =	shalt  }
0x55: {  	_ =	shalt  }
0x56: {  	_ =	shalt  }
0x57: {  	_ =	shalt  }
0x58: {  	_ =	shalt  }
0x59: {  	_ =	shalt  }
0x5a: {  	_ =	shalt  }
0x5b: {  	_ =	shalt  }
0x5c: {  	_ =	shalt  }
0x5d: {  	_ =	shalt  }
0x5e: {  	_ =	shalt  }
0x5f: {  	_ =	shalt  }
0x60: {  	_ =	shalt  }
0x61: {  	_ =	shalt  }
0x62: {  	_ =	shalt  }
0x63: {  	_ =	shalt  }
0x64: {  	_ =	shalt  }
0x65: {  	_ =	shalt  }
0x66: {  	_ =	shalt  }
0x67: {  	_ =	shalt  }
0x68: {  	_ =	shalt  }
0x69: {  	_ =	shalt  }
0x6a: {  	_ =	shalt  }
0x6b: {  	_ =	shalt  }
0x6c: {  	_ =	shalt  }
0x6d: {  	_ =	shalt  }
0x6e: {  	_ =	shalt  }
0x6f: {  	_ =	shalt  }
0x70: {  	_ =	shalt  }
0x71: {  	_ =	shalt  }
0x72: {  	_ =	shalt  }
0x73: {  	_ =	shalt  }
0x74: {  	_ =	shalt  }
0x75: {  	_ =	shalt  }
0x76: {  	_ =	shalt  }
0x77: {  	_ =	shalt  }
0x78: {  	_ =	shalt  }
0x79: {  	_ =	shalt  }
0x7a: {  	_ =	shalt  }
0x7b: {  	_ =	shalt  }
0x7c: {  	_ =	shalt  }
0x7d: {  	_ =	shalt  }
0x7e: {  	_ =	shalt  }
0x7f: {  	_ =	shalt  }
0x80: {  	_ =	shalt  }
0x81: {  	_ =	shalt  }
0x82: {  	_ =	shalt  }
0x83: {  	_ =	shalt  }
0x84: {  	_ =	shalt  }
0x85: {  	_ =	shalt  }
0x86: {  	_ =	shalt  }
0x87: {  	_ =	shalt  }
.Lfunc_end0:
.L_simem_size_0:
called_computation.2_lowered:
.L_overlay_start_0:
0x88: {  	s2 =	sld [smem:$0x3FD9]  }
0x89: {  	s3 =	sld [smem:$0x3FFE];
	_ =	sdelay $0x1  }
0x8a: {  	s1 =	srdreg.scid  }
0x8b: {  	s0 =	sand.u32 $0x1, s1  }
0x8c: {  	s17 =	sshll.u32 s0, $0xA;
	s2 =	sadd.s32 s3, s2  }
0x8d: {  	s2 =	sadd.s32 s2, s17  }
0x8e: {  	[smem:$0x3FC2] =	sst s2  }
0x8f: {  	_ = 	snop  }
0x90: {  	s2 =	sld [smem:$0x3FD0];
	(tm) =	ssettm $0x1  }
0x91: {  	s18 =	sld [smem:$0x3FFB];
	_ =	sdelay $0x3  }
0x92: {  	_ =	strace s18  }
0x93: {  	s3 =	sld [smem:$0x3FFC];
	_ =	sdelay $0x3  }
0x94: {  	_ =	strace s3  }
0x95: {  	s3 =	sld [smem:$0x3FFD];
	_ =	sdelay $0x3  }
0x96: {  	_ =	strace s3  }
0x97: {  	_ =	strace $0x8FFFFFFF  }
0x98: {  	s19 =	sld [smem:$0x3FDB];
	_ =	sdelay $0x1  }
0x99: {  	s4 =	simm.s32 $_scs_section_size  }
0x9a: {  	s5 =	simm.s32 $_size__tile_overlayer_lowered;
	s6 =	simm.s32 $_tile_overlayer_lowered  }
0x9b: {  	s22 =	simm.s32 $0x1BFF;
	s21 =	sshll.u32 s6, $0x1;
	s3 =	sadd.s32 s4, s19  }
0x9c: {  	s7 =	simm.s32 $0x0;
	s20 =	sshll.u32 s5, $0x1;
	s5 =	sadd.s32 s21, s3  }
0x9d: {  	[timem:s7], [sflag:s22] =	dma.local [hbm:s5], s20  }
0x9e: {  	_ =	swait.ge [sflag:s22], s20  }
0x9f: {  	s4 =	ssub.s32 $0x0, s20;
	[sflag:s22] =	ssyncset.done $0x0  }
0xa0: {  	[sflag:s22] =	ssyncadd.s32 s4;
	_ =	sdelay $0x1  }
0xa1: {  	s23 =	simm.s32 $0x1B8B  }
0xa2: {  	_ =	swait.ge [sflag:s23], $0x1  }
0xa3: {  	[sflag:s23] =	ssyncset.done $0x0  }
0xa4: {  	s25 =	simm.s32 $0x1B8E;
	s24 =	sld [smem:$0x3FFE];
	[sflag:s23] =	ssyncadd.s32 $0xFFFFFFFF  }
0xa5: {  	s26 =	simm.s32 $execute0_lowered;
	[smem:$0x3FD2] =	sst s25  }
0xa6: {  	s5 =	sshll.u32 s26, $0x1;
	_ =	strace $0x8000004C;
	[dreg:$0x1] =	wrdreg $0xFFFFFFFF  }
0xa7: {  	s28 =	simm.s32 $_size_execute0_lowered;
	s3 =	sadd.s32 s3, s5;
	[dreg:$0x0] =	wrdreg $0x0  }
0xa8: {  	s5 =	sshll.u32 s28, $0x1;
	[dreg:$0x2] =	wrdreg s3  }
0xa9: {  	[dreg:$0x3] =	wrdreg s5  }
0xaa: {  	[dreg:$0x4] =	wrdreg $0xC0  }
0xab: {  	_ =	task [dreg:s7], $0x5FFFF  }
0xac: {  	[dreg:$0x1] =	wrdreg $0xFFFFFFFF  }
0xad: {  	[dreg:$0x0] =	wrdreg $0x60  }
0xae: {  	[dreg:$0x2] =	wrdreg s24  }
0xaf: {  	[dreg:$0x3] =	wrdreg s2  }
0xb0: {  	[dreg:$0x4] =	wrdreg $0x99200  }
0xb1: {  	[dreg:$0x5] =	wrdreg $0x9  }
0xb2: {  	_ =	task.clear_ibuf [dreg:s7], $0x6FFFF;
	_ =	strace $0x9000004C  }
0xb3: {  	s29 =	simm.s32 $0x9;
	_ =	strace $0x8000004E  }
0xb4: {  	_ =	swait.ge [sflag:s29], $0x1  }
0xb5: {  	[sflag:s29] =	ssyncadd.s32 $0xFFFFFFFF  }
0xb6: {  	_ =	strace $0x9000004E  }
0xb7: {  	_ =	sfence  }
0xb8: {  	s30 =	sld [smem:$0x0];
	_ =	sdelay $0x2  }
0xb9: {  	s31 =	sshll.u32 s1, $0xD;
	s1 =	sshrl.u32 s1, $0x2  }
0xba: {  	s3 =	sand.u32 $0x4000, s31;
	s1 =	sadd.s32 s1, s30  }
0xbb: {  	s0 =	sor.u32 s3, s0;
	s1 =	sshll.u32 s1, $0x11  }
0xbc: {  	s0 =	sor.u32 s1, s0  }
0xbd: {  	s0 =	sadd.s32 $0x8F2B, s0  }
0xbe: {  	[sflag:s0] =	ssyncadd.remote.s32 $0x1  }
0xbf: {  	_ =	sfence.sel $0xFFFF  }
0xc0: {  	[dreg:$0x0] =	wrdreg $0xFFFFFFFF;
	(pc) =	sbr.abs _section_cstart, $3  }
0xc1: {  	[dreg:$0x1] =	wrdreg $0xFFFFFFFF  }
0xc2: {  	_ =	task.clear_ibuf [dreg:s7], $0x2FFFF;
	_ =	strace $0x9FFFFFFF  }
0xc3: {  	(tm) =	ssettm $0x7FFFFFFF  }
tec
execute0_lowered:
.L_overlay_start_1:
0x0: {  	(tag) =	ssettag $0x1  }
0x1: {  	s0 =	rddreg [dreg:$0x0]  }
0x2: {  	s2 =	rddreg [dreg:$0x1];
	s12 =	stileid.u32  }
0x3: {  	s1 =	rddreg [dreg:$0x2];
	s3 =	simm.s32 $0x0;
	s8 =	smul.u32 $0x1900, s12  }
0x4: {  	s4 =	srdreg.scid;
	s28 =	simm.s32 $0x8;
	s11 =	smul.u32 $0x32000, s12  }
0x5: {  	[smem:$0x7FF] =	sst s3;
	s6 =	sand.u32 $0x1, s4;
	s24 =	smul.u32 $0x61A8, s12  }
0x6: {  	s7 =	smul.u32 $0x19000, s6;
	s4 =	sshll.u32 s6, $0x4;
	s9 =	ssub.s32 $0x2, s6  }
0x7: {  	_ =	strace $0x8000004D;
	s21 =	smul.u32 $0x61A80, s6;
	s30 =	sshrl.u32 s9, $0x1  }
0x8: {  	s5 =	sor.u32 s12, s4;
	s20 =	sshrl.u32 s11, $0x2;
	s31 =	ssub.s32 s9, s30  }
0x9: {  	s4 =	sadd.s32 $0x1A200, s0;
	s11 =	sadd.s32 s20, s1;
	s22 =	smax.u32 s31, $0x1  }
0xa: {  	s10 =	smul.u32 $0x61A8, s5;
	s23 =	sadd.s32 $0xC80, s11;
	[dreg:$0x8] =	wrdreg s22  }
0xb: {  	s5 =	sadd.s32 $0x1A00, s0;
	s25 =	sadd.s32 $0x1900, s11;
	[dreg:$0x9] =	wrdreg s23  }
0xc: {  	s7 =	sadd.s32 s8, s7;
	s26 =	sadd.s32 $0x2580, s11;
	[dreg:$0xa] =	wrdreg s25  }
0xd: {  	s0 =	sadd.s32 s7, s0;
	s29 =	sadd.s32 $0x3200, s11;
	[dreg:$0xb] =	wrdreg s26  }
0xe: {  	s30 =	sadd.s32 $0x3E80, s11;
	s31 =	sadd.s32 $0x4B00, s11;
	[dreg:$0xc] =	wrdreg s29  }
0xf: {  	s7 =	sadd.s32 $0xBB80, s11;
	s15 =	sadd.s32 $0x3E8, s10;
	[dreg:$0xd] =	wrdreg s30  }
0x10: {  	s16 =	sshrl.u32 s10, $0x3;
	s0 =	sadd.s32 $0x32A00, s0;
	[dreg:$0xe] =	wrdreg s31  }
0x11: {  	s18 =	sadd.s32 $0xBB8, s10;
	s23 =	sadd.s32 $0x6400, s11;
	[dreg:$0x7] =	wrdreg s0  }
0x12: {  	s25 =	sadd.s32 $0x7080, s11;
	s26 =	sadd.s32 $0x7D00, s11;
	[dreg:$0x13] =	wrdreg s23  }
0x13: {  	s29 =	sadd.s32 $0x8980, s11;
	s30 =	sadd.s32 $0x9600, s11;
	[dreg:$0x14] =	wrdreg s25  }
0x14: {  	s31 =	sadd.s32 $0xA280, s11;
	s8 =	sshrl.u32 s15, $0x3;
	[dreg:$0x15] =	wrdreg s26  }
0x15: {  	s13 =	sadd.s32 s2, s16;
	s17 =	sadd.s32 s5, s16;
	[dreg:$0x16] =	wrdreg s29  }
0x16: {  	s0 =	sadd.s32 s24, s21;
	s10 =	sshrl.u32 s18, $0x3;
	[dreg:$0x17] =	wrdreg s30  }
0x17: {  	s18 =	sadd.s32 $0x5780, s11;
	[dreg:$0x18] =	wrdreg s31;
	s23 =	simm.s32 $0x4  }
0x18: {  	s26 =	simm.s32 $0x7;
	s25 =	simm.s32 $0x0;
	s14 =	sadd.s32 s2, s8  }
0x19: {  	[dreg:$0x5] =	wrdreg s17;
	s19 =	sadd.s32 $0xBB8, s17;
	s12 =	sadd.s32 $0x1388, s0  }
0x1a: {  	s6 =	sadd.s32 s2, s10;
	s17 =	sadd.s32 $0xBB8, s0;
	[dreg:$0x10] =	wrdreg s18  }
0x1b: {  	s9 =	sadd.s32 $0xFA, s13;
	s10 =	simm.s32 $0x3E8;
	[dreg:$0x4] =	wrdreg s14  }
0x1c: {  	s18 =	simm.s32 $0x4E20;
	[dreg:$0x6] =	wrdreg s19;
	s14 =	sadd.s32 $0xFA0, s0  }
0x1d: {  	[dreg:$0xf] =	wrdreg s6;
	s15 =	sshrl.u32 s12, $0x3;
	s19 =	sadd.s32 s5, s8  }
0x1e: {  	s22 =	sshrl.u32 s17, $0x3;
	s0 =	sadd.s32 $0x7D0, s0;
	s6 =	simm.s32 $0x8CA0  }
0x1f: {  	s12 =	simm.s32 $0x9;
	s8 =	simm.s32 $0xFA0;
	s17 =	simm.s32 $0x2  }
.Ltmp0:
0x20: {  	s16 =	sshrl.u32 s14, $0x3;
	[dreg:$0x11] =	wrdreg s19;
	(pc) =	sbr.rel .LBB2_1-.Ltmp0, $4  }
0x21: {  	s20 =	sadd.s32 s15, s2;
	s24 =	sadd.s32 s22, s5;
	[dreg:$0x12] =	wrdreg s0  }
0x22: {  	s0 =	smov.u32 s13;
	s13 =	simm.s32 $0x1;
	s14 =	simm.s32 $0x7D0  }
0x23: {  	s15 =	simm.s32 $0x5;
	s19 =	simm.s32 $0xBB8;
	s22 =	simm.s32 $0x6  }
0x24: {  	v0 =	vimm.f32 $0.0e+00;
	s21 =	sadd.s32 s16, s2;
	s2 =	sadd.s32 $0xAF00, s11;
	s16 =	simm.s32 $0x3  }
.LBB2_6:
0x25: {  	_ =	swait.ge [sflag:s26], $0x3E80  }
0x26: {  	[sflag:s26] =	ssyncset.done $0x0  }
0x27: {  	[sflag:s26] =	ssyncadd.s32 $0xFFFFC180  }
0x28: {  	_ =	swait.ge [sflag:s13], $0x3E8  }
0x29: {  	[sflag:s13] =	ssyncset.done $0x0  }
0x2a: {  	[sflag:s13] =	ssyncadd.s32 $0xFFFFFC18  }
0x2b: {  	[tilespmem:s8], [sflag:$0x5] =	stream.indirect.gather [hbm4b:s4+s10], $0x10, s3, s10, $0xb8;
	[tilespmem:$0x16120] =	vst v63  }
0x2c: {  	s29 =	rddreg [dreg:$0x6]  }
0x2d: {  	[tilespmem:s14], [sflag:$0x3] =	stream.linear.gather [hbm4b:s29+s3], $0x3E8, $0x38;
	[tilespmem:$0x16120] =	vst v63  }
0x2e: {  	_ =	swait.ge [sflag:s15], $0x3E80  }
0x2f: {  	[sflag:s15] =	ssyncset.done $0x0  }
0x30: {  	[sflag:s15] =	ssyncadd.s32 $0xFFFFC180  }
0x31: {  	_ =	swait.ge [sflag:s16], $0x3E8  }
0x32: {  	[sflag:s16] =	ssyncset.done $0x0  }
0x33: {  	[sflag:s16] =	ssyncadd.s32 $0xFFFFFC18  }
0x34: {  	[spmem:s1] =	stream.indirect.scatter.add.f32 [tilespmem:s8], [sflag:$0x7], $0x10, s14, s10, $0xb8;
	[tilespmem:$0x16120] =	vst v63  }
0x35: {  	_ =	swait.ge [sflag:s26], $0x3E80  }
0x36: {  	[sflag:s26] =	ssyncset.done $0x0  }
0x37: {  	[sflag:s26] =	ssyncadd.s32 $0xFFFFC180  }
0x38: {  	_ =	swait.ge [sflag:s28], $0x3E80  }
0x39: {  	[sflag:s28] =	ssyncset.done $0x0  }
0x3a: {  	s30 =	stileid.u32;
	[sflag:s28] =	ssyncadd.s32 $0xFFFFC180  }
0x3b: {  	s29 =	sshll.u32 s30, $0x6;
	[bflag:$0x0] =	sbarrier.arrive $0xFFFF  }
0x3c: {  	s30 =	sshrl.u32 s11, $0x3;
	s29 =	sor.u32 $0x1C09, s29;
	s31 =	rddreg [dreg:$0x7]  }
0x3d: {  	[hbm:s31], [sflag:s29] =	dma.local [spmem:s30], $0x1900  }
0x3e: {  	_ =	swait.ge [sflag:s12], $0x1900  }
0x3f: {  	s25 =	sadd.s32 $0x1, s25;
	s31 =	rddreg [dreg:$0x8]  }
0x40: {  	p0 =	sne.s32 s25, s31  }
.Ltmp1:
0x41: {  	_ = 	snop;
	(pc) =	sbr.rel @!p0 .LBB2_7-.Ltmp1, $3  }
0x42: {  	_ =	sdelay $0x1  }
0x43: {  	[sflag:s12] =	ssyncset.done $0x0  }
0x44: {  	[sflag:s12] =	ssyncadd.s32 $0xFFFFE700  }
.LBB2_1:
0x45: {  	[tilespmem:s3], [sflag:$0x1] =	stream.linear.gather [hbm4b:s0+s3], $0x3E8, $0x38;
	[tilespmem:$0x16120] =	vst v63  }
0x46: {  	s29 =	rddreg [dreg:$0x4]  }
0x47: {  	[tilespmem:s10], [sflag:$0x2] =	stream.linear.gather [hbm4b:s29+s3], $0x3E8, $0x38;
	[tilespmem:$0x16120] =	vst v63  }
0x48: {  	s30 =	simm.s32 $0x0;
	s29 =	simm.s32 $0x40  }
.LBB2_2:
0x49: {  	p0 =	sne.s32 s29, $0x31C0;
	[tilespmem:s30+$0x8CA0] =	vst v0;
	s30 =	smov.u32 s29;
	s29 =	sadd.s32 $0x40, s29  }
.Ltmp2:
0x4a: {  	(pc) =	sbr.rel @p0 .LBB2_2-.Ltmp2, $2  }
0x4b: {  	_ =	sdelay $0x2  }
0x4c: {  	s30 =	sshra.s32 s30, $0x2  }
0x4d: {  	[tilespmem:s30+$0x8CA0] =	vst v0  }
0x4e: {  	[spmem:s11] =	stream.linear.scatter [tilespmem:s6], [sflag:$0x9], $0xC80, $0x38;
	[tilespmem:$0x16120] =	vst v63  }
0x4f: {  	_ =	swait.ge [sflag:s12], $0xC80  }
0x50: {  	[sflag:s12] =	ssyncset.done $0x0  }
0x51: {  	s29 =	rddreg [dreg:$0x9];
	[sflag:s12] =	ssyncadd.s32 $0xFFFFF380  }
0x52: {  	[spmem:s29] =	stream.linear.scatter [tilespmem:s6], [sflag:$0x9], $0xC80, $0x38;
	[tilespmem:$0x16120] =	vst v63  }
0x53: {  	_ =	swait.ge [sflag:s12], $0xC80  }
0x54: {  	[sflag:s12] =	ssyncset.done $0x0  }
0x55: {  	s29 =	rddreg [dreg:$0xa];
	[sflag:s12] =	ssyncadd.s32 $0xFFFFF380  }
0x56: {  	[spmem:s29] =	stream.linear.scatter [tilespmem:s6], [sflag:$0x9], $0xC80, $0x38;
	[tilespmem:$0x16120] =	vst v63  }
0x57: {  	_ =	swait.ge [sflag:s12], $0xC80  }
0x58: {  	[sflag:s12] =	ssyncset.done $0x0  }
0x59: {  	s29 =	rddreg [dreg:$0xb];
	[sflag:s12] =	ssyncadd.s32 $0xFFFFF380  }
0x5a: {  	[spmem:s29] =	stream.linear.scatter [tilespmem:s6], [sflag:$0x9], $0xC80, $0x38;
	[tilespmem:$0x16120] =	vst v63  }
0x5b: {  	_ =	swait.ge [sflag:s12], $0xC80  }
0x5c: {  	[sflag:s12] =	ssyncset.done $0x0  }
0x5d: {  	s29 =	rddreg [dreg:$0xc];
	[sflag:s12] =	ssyncadd.s32 $0xFFFFF380  }
0x5e: {  	[spmem:s29] =	stream.linear.scatter [tilespmem:s6], [sflag:$0x9], $0xC80, $0x38;
	[tilespmem:$0x16120] =	vst v63  }
0x5f: {  	_ =	swait.ge [sflag:s12], $0xC80  }
0x60: {  	[sflag:s12] =	ssyncset.done $0x0  }
0x61: {  	s29 =	rddreg [dreg:$0xd];
	[sflag:s12] =	ssyncadd.s32 $0xFFFFF380  }
0x62: {  	[spmem:s29] =	stream.linear.scatter [tilespmem:s6], [sflag:$0x9], $0xC80, $0x38;
	[tilespmem:$0x16120] =	vst v63  }
0x63: {  	_ =	swait.ge [sflag:s12], $0xC80  }
0x64: {  	[sflag:s12] =	ssyncset.done $0x0  }
0x65: {  	s29 =	rddreg [dreg:$0xe];
	[sflag:s12] =	ssyncadd.s32 $0xFFFFF380  }
0x66: {  	[spmem:s29] =	stream.linear.scatter [tilespmem:s6], [sflag:$0x9], $0xC80, $0x38;
	[tilespmem:$0x16120] =	vst v63  }
0x67: {  	_ =	swait.ge [sflag:s12], $0xC80  }
0x68: {  	[sflag:s12] =	ssyncset.done $0x0  }
0x69: {  	s29 =	rddreg [dreg:$0x10];
	[sflag:s12] =	ssyncadd.s32 $0xFFFFF380  }
0x6a: {  	[spmem:s29] =	stream.linear.scatter [tilespmem:s6], [sflag:$0x9], $0xC80, $0x38;
	[tilespmem:$0x16120] =	vst v63  }
0x6b: {  	_ =	swait.ge [sflag:s12], $0xC80  }
0x6c: {  	[sflag:s12] =	ssyncset.done $0x0  }
0x6d: {  	s29 =	rddreg [dreg:$0x13];
	[sflag:s12] =	ssyncadd.s32 $0xFFFFF380  }
0x6e: {  	[spmem:s29] =	stream.linear.scatter [tilespmem:s6], [sflag:$0x9], $0xC80, $0x38;
	[tilespmem:$0x16120] =	vst v63  }
0x6f: {  	_ =	swait.ge [sflag:s12], $0xC80  }
0x70: {  	[sflag:s12] =	ssyncset.done $0x0  }
0x71: {  	s29 =	rddreg [dreg:$0x14];
	[sflag:s12] =	ssyncadd.s32 $0xFFFFF380  }
0x72: {  	[spmem:s29] =	stream.linear.scatter [tilespmem:s6], [sflag:$0x9], $0xC80, $0x38;
	[tilespmem:$0x16120] =	vst v63  }
0x73: {  	_ =	swait.ge [sflag:s12], $0xC80  }
0x74: {  	[sflag:s12] =	ssyncset.done $0x0  }
0x75: {  	s29 =	rddreg [dreg:$0x15];
	[sflag:s12] =	ssyncadd.s32 $0xFFFFF380  }
0x76: {  	[spmem:s29] =	stream.linear.scatter [tilespmem:s6], [sflag:$0x9], $0xC80, $0x38;
	[tilespmem:$0x16120] =	vst v63  }
0x77: {  	_ =	swait.ge [sflag:s12], $0xC80  }
0x78: {  	[sflag:s12] =	ssyncset.done $0x0  }
0x79: {  	s29 =	rddreg [dreg:$0x16];
	[sflag:s12] =	ssyncadd.s32 $0xFFFFF380  }
0x7a: {  	[spmem:s29] =	stream.linear.scatter [tilespmem:s6], [sflag:$0x9], $0xC80, $0x38;
	[tilespmem:$0x16120] =	vst v63  }
0x7b: {  	_ =	swait.ge [sflag:s12], $0xC80  }
0x7c: {  	[sflag:s12] =	ssyncset.done $0x0  }
0x7d: {  	s29 =	rddreg [dreg:$0x17];
	[sflag:s12] =	ssyncadd.s32 $0xFFFFF380  }
0x7e: {  	[spmem:s29] =	stream.linear.scatter [tilespmem:s6], [sflag:$0x9], $0xC80, $0x38;
	[tilespmem:$0x16120] =	vst v63  }
0x7f: {  	_ =	swait.ge [sflag:s12], $0xC80  }
0x80: {  	[sflag:s12] =	ssyncset.done $0x0  }
0x81: {  	s29 =	rddreg [dreg:$0x18];
	[sflag:s12] =	ssyncadd.s32 $0xFFFFF380  }
0x82: {  	[spmem:s29] =	stream.linear.scatter [tilespmem:s6], [sflag:$0x9], $0xC80, $0x38;
	[tilespmem:$0x16120] =	vst v63  }
0x83: {  	_ =	swait.ge [sflag:s12], $0xC80  }
0x84: {  	[sflag:s12] =	ssyncset.done $0x0  }
0x85: {  	[sflag:s12] =	ssyncadd.s32 $0xFFFFF380  }
0x86: {  	[spmem:s2] =	stream.linear.scatter [tilespmem:s6], [sflag:$0x9], $0xC80, $0x38;
	[tilespmem:$0x16120] =	vst v63  }
0x87: {  	_ =	swait.ge [sflag:s12], $0xC80  }
0x88: {  	[sflag:s12] =	ssyncset.done $0x0  }
0x89: {  	[sflag:s12] =	ssyncadd.s32 $0xFFFFF380  }
0x8a: {  	[spmem:s7] =	stream.linear.scatter [tilespmem:s6], [sflag:$0x9], $0xC80, $0x38;
	[tilespmem:$0x16120] =	vst v63  }
0x8b: {  	_ =	swait.ge [sflag:s12], $0xC80  }
0x8c: {  	[sflag:s12] =	ssyncset.done $0x0  }
0x8d: {  	[sflag:s12] =	ssyncadd.s32 $0xFFFFF380  }
0x8e: {  	[bflag:$0x0] =	sbarrier.arrive $0xFFFF  }
0x8f: {  	_ =	swait.ge [sflag:s13], $0x3E8  }
0x90: {  	[sflag:s13] =	ssyncset.done $0x0  }
0x91: {  	s29 =	simm.s32 $0x0;
	[sflag:s13] =	ssyncadd.s32 $0xFFFFFC18  }
0x92: {  	[tilespmem:s8], [sflag:$0x5] =	stream.indirect.gather [hbm4b:s4+s10], $0x10, s29, s10, $0xb8;
	[tilespmem:$0x16120] =	vst v63  }
0x93: {  	s30 =	rddreg [dreg:$0x5]  }
0x94: {  	[tilespmem:s14], [sflag:$0x3] =	stream.linear.gather [hbm4b:s30+s29], $0x3E8, $0x38;
	[tilespmem:$0x16120] =	vst v63  }
0x95: {  	_ =	swait.ge [sflag:s15], $0x3E80  }
0x96: {  	[sflag:s15] =	ssyncset.done $0x0  }
0x97: {  	[sflag:s15] =	ssyncadd.s32 $0xFFFFC180  }
0x98: {  	_ =	swait.ge [sflag:s16], $0x3E8  }
0x99: {  	[sflag:s16] =	ssyncset.done $0x0  }
0x9a: {  	[sflag:s16] =	ssyncadd.s32 $0xFFFFFC18  }
0x9b: {  	[spmem:s1] =	stream.indirect.scatter.add.f32 [tilespmem:s8], [sflag:$0x7], $0x10, s14, s10, $0xb8;
	[tilespmem:$0x16120] =	vst v63  }
0x9c: {  	_ = 	snop  }
0x9d: {  	[tilespmem:s29], [sflag:$0x1] =	stream.linear.gather [hbm4b:s9+s29], $0x3E8, $0x38;
	[tilespmem:$0x16120] =	vst v63  }
0x9e: {  	_ =	swait.ge [sflag:s17], $0x3E8  }
0x9f: {  	[sflag:s17] =	ssyncset.done $0x0  }
0xa0: {  	[sflag:s17] =	ssyncadd.s32 $0xFFFFFC18  }
0xa1: {  	[tilespmem:s18], [sflag:$0x6] =	stream.indirect.gather [hbm4b:s4+s10], $0x10, s10, s10, $0xb8;
	[tilespmem:$0x16120] =	vst v63  }
0xa2: {  	s30 =	rddreg [dreg:$0x11]  }
0xa3: {  	[tilespmem:s19], [sflag:$0x4] =	stream.linear.gather [hbm4b:s30+s29], $0x3E8, $0x38;
	[tilespmem:$0x16120] =	vst v63  }
0xa4: {  	_ =	swait.ge [sflag:s22], $0x3E80  }
0xa5: {  	[sflag:s22] =	ssyncset.done $0x0  }
0xa6: {  	[sflag:s22] =	ssyncadd.s32 $0xFFFFC180  }
0xa7: {  	_ =	swait.ge [sflag:s23], $0x3E8  }
0xa8: {  	[sflag:s23] =	ssyncset.done $0x0  }
0xa9: {  	[sflag:s23] =	ssyncadd.s32 $0xFFFFFC18  }
0xaa: {  	[spmem:s1] =	stream.indirect.scatter.add.f32 [tilespmem:s18], [sflag:$0x8], $0x10, s19, s10, $0xb8;
	[tilespmem:$0x16120] =	vst v63  }
0xab: {  	s30 =	rddreg [dreg:$0xf]  }
0xac: {  	[tilespmem:s10], [sflag:$0x2] =	stream.linear.gather [hbm4b:s30+s29], $0x3E8, $0x38;
	[tilespmem:$0x16120] =	vst v63  }
0xad: {  	s30 =	rddreg [dreg:$0x12]  }
.LBB2_4:
0xae: {  	_ =	swait.ge [sflag:s26], $0x3E80  }
0xaf: {  	[sflag:s26] =	ssyncset.done $0x0  }
0xb0: {  	[sflag:s26] =	ssyncadd.s32 $0xFFFFC180  }
0xb1: {  	_ =	swait.ge [sflag:s13], $0x3E8  }
0xb2: {  	[sflag:s13] =	ssyncset.done $0x0  }
0xb3: {  	s31 =	sshrl.u32 s30, $0x3;
	[sflag:s13] =	ssyncadd.s32 $0xFFFFFC18  }
0xb4: {  	[tilespmem:s8], [sflag:$0x5] =	stream.indirect.gather [hbm4b:s4+s10], $0x10, s3, s10, $0xb8;
	[tilespmem:$0x16120] =	vst v63  }
0xb5: {  	s31 =	sadd.s32 s5, s31  }
0xb6: {  	[tilespmem:s14], [sflag:$0x3] =	stream.linear.gather [hbm4b:s31+s3], $0x3E8, $0x38;
	[tilespmem:$0x16120] =	vst v63  }
0xb7: {  	_ =	swait.ge [sflag:s15], $0x3E80  }
0xb8: {  	[sflag:s15] =	ssyncset.done $0x0  }
0xb9: {  	[sflag:s15] =	ssyncadd.s32 $0xFFFFC180  }
0xba: {  	_ =	swait.ge [sflag:s16], $0x3E8  }
0xbb: {  	[sflag:s16] =	ssyncset.done $0x0  }
0xbc: {  	[sflag:s16] =	ssyncadd.s32 $0xFFFFFC18  }
0xbd: {  	[spmem:s1] =	stream.indirect.scatter.add.f32 [tilespmem:s8], [sflag:$0x7], $0x10, s14, s10, $0xb8;
	[tilespmem:$0x16120] =	vst v63  }
0xbe: {  	s31 =	sadd.s32 s29, s21  }
0xbf: {  	[tilespmem:s3], [sflag:$0x1] =	stream.linear.gather [hbm4b:s31+s3], $0x3E8, $0x38;
	[tilespmem:$0x16120] =	vst v63  }
0xc0: {  	_ =	swait.ge [sflag:s28], $0x3E80  }
0xc1: {  	[sflag:s28] =	ssyncset.done $0x0  }
0xc2: {  	[sflag:s28] =	ssyncadd.s32 $0xFFFFC180  }
0xc3: {  	_ =	swait.ge [sflag:s17], $0x3E8  }
0xc4: {  	[sflag:s17] =	ssyncset.done $0x0  }
0xc5: {  	[sflag:s17] =	ssyncadd.s32 $0xFFFFFC18  }
0xc6: {  	[tilespmem:s18], [sflag:$0x6] =	stream.indirect.gather [hbm4b:s4+s10], $0x10, s10, s10, $0xb8;
	[tilespmem:$0x16120] =	vst v63  }
0xc7: {  	s31 =	sadd.s32 s29, s24  }
0xc8: {  	[tilespmem:s19], [sflag:$0x4] =	stream.linear.gather [hbm4b:s31+s3], $0x3E8, $0x38;
	[tilespmem:$0x16120] =	vst v63  }
0xc9: {  	_ =	swait.ge [sflag:s22], $0x3E80  }
0xca: {  	p0 =	seq.s32 s29, $0x9C4;
	[sflag:s22] =	ssyncset.done $0x0  }
.Ltmp3:
0xcb: {  	[sflag:s22] =	ssyncadd.s32 $0xFFFFC180;
	(pc) =	sbr.rel @p0 .LBB2_6-.Ltmp3, $4  }
0xcc: {  	_ =	swait.ge [sflag:s23], $0x3E8  }
0xcd: {  	[sflag:s23] =	ssyncset.done $0x0  }
0xce: {  	[sflag:s23] =	ssyncadd.s32 $0xFFFFFC18  }
0xcf: {  	[spmem:s1] =	stream.indirect.scatter.add.f32 [tilespmem:s18], [sflag:$0x8], $0x10, s19, s10, $0xb8;
	[tilespmem:$0x16120] =	vst v63  }
.Ltmp4:
0xd0: {  	(pc) =	sbr.rel .LBB2_4-.Ltmp4, $3  }
0xd1: {  	_ =	sdelay $0x1  }
0xd2: {  	s31 =	sadd.s32 s29, s20;
	s29 =	sadd.s32 $0xFA, s29;
	s30 =	sadd.s32 $0x7D0, s30  }
0xd3: {  	[tilespmem:s10], [sflag:$0x2] =	stream.linear.gather [hbm4b:s31+s3], $0x3E8, $0x38;
	[tilespmem:$0x16120] =	vst v63  }
.LBB2_7:
0xd4: {  	_ =	sfence.sel $0x180000  }
0xd5: {  	[bflag:$0x0] =	sbarrier.arrive $0xFFFF  }
0xd6: {  	_ =	strace $0x9000004D  }
0xd7: {  	s0 =	stileid.u32;
	[bflag:$0x2] =	sbarrier.arrive $0xFFFF  }
0xd8: {  	p0 =	sne.s32 s0, $0x0;
	s0 =	rddreg [dreg:$0x3]  }
0xd9: {  	s0 =	sadd.s32 @!p0 $0x100000, s0  }
0xda: {  	[sflag:s0] =	ssyncadd.tile.s32 @!p0 $0x1;
	_ =	shalt  }
.Lfunc_end2:
_tile_overlayer_lowered:
.L_overlay_start_2:
0xdb: {  	(tag) =	ssettag $0x2  }
0xdc: {  	s0 =	rddreg [dreg:$0x0];
	s2 =	stileid.u32  }
0xdd: {  	s1 =	rddreg [dreg:$0x1];
	p0 =	sne.s32 s2, $0x0  }
0xde: {  	s3 =	rddreg [dreg:$0x2];
	[bflag:$0x3] =	sbarrier.arrive $0xFFFF;
	s2 =	simm.s32 @!p0 $0x1C09  }
0xdf: {  	[timem:s3], [sflag:s2] =	dma.local @!p0 [hbm:s0], s1  }
0xe0: {  	s0 =	simm.s32 @!p0 $0x9  }
0xe1: {  	_ =	swait.ge @!p0 [sflag:s0], s1  }
0xe2: {  	s1 =	ssub.s32 @!p0 $0x0, s1;
	[sflag:s0] =	ssyncset.done @!p0 $0x0  }
0xe3: {  	[sflag:s0] =	ssyncadd.s32 @!p0 s1  }
0xe4: {  	[bflag:$0x3] =	sbarrier.arrive $0xFFFF  }
0xe5: {  	_ =	shalt  }

// kernel: kernel.9.cloned.1.call-start
scs
__scs_entry_jumppad:
0x0: {  	(pc) =	sbr.rel $0x88, $3  }
0x1: {  	(tag) =	ssettag $0x0;
	lr =	simm.s32 $0x1  }
0x2: {  	[smem:$0x3F9B] =	sst lr;
	_ =	strace $0xD0000000  }
0x3: {  	_ = 	snop  }
0x4: {  	_ = 	snop  }
0x5: {  	_ = 	snop  }
0x6: {  	_ = 	snop  }
0x7: {  	_ = 	snop  }
__scs_overlays_trampoline_lowered:
0x8: {  	[smem:$0x3FAA] =	sst s0  }
0x9: {  	[smem:$0x3FAB] =	sst s1  }
0xa: {  	[smem:$0x3FAC] =	sst s2  }
0xb: {  	[smem:$0x3FAD] =	sst s3  }
0xc: {  	[smem:$0x3FAE] =	sst s4  }
0xd: {  	[smem:$0x3FAF] =	sst s5  }
0xe: {  	[smem:$0x3FB0] =	sst s6  }
0xf: {  	[smem:$0x3FB1] =	sst s7  }
0x10: {  	[smem:$0x3FB2] =	sst s8  }
0x11: {  	[smem:$0x3FB3] =	sst s9;
	s0 =	simm.s32 @!p0 $0x0  }
0x12: {  	s1 =	sld [smem:$0x3F99];
	s0 =	simm.s32 @p0 $0x1  }
0x13: {  	[smem:$0x3FB4] =	sst s0;
	s0 =	simm.s32 @!p1 $0x0  }
0x14: {  	s2 =	sld [smem:$0x3F98];
	s0 =	simm.s32 @p1 $0x1  }
0x15: {  	[smem:$0x3FB5] =	sst s0;
	s0 =	simm.s32 @!p2 $0x0  }
0x16: {  	s3 =	sld [smem:$0x3FDB];
	s0 =	simm.s32 @p2 $0x1  }
0x17: {  	s4 =	simm.s32 $0x1BF5;
	[smem:$0x3FB7] =	sst s0  }
0x18: {  	s0 =	sld [smem:$0x3F9A];
	_ =	swait.ge [sflag:s4], $0x0  }
0x19: {  	s7 =	sld [smem:$0x3F9B]  }
0x1a: {  	s8 =	sadd.s32 $0xFFFFE003, lr  }
0x1b: {  	s9 =	sadd.s32 $0xFFFFFEF7, lr;
	s5 =	simm.s32 $0xFFFFFFFF;
	p2 =	slt.u32 s8, $0xFFFFF086  }
0x1c: {  	p1 =	slt.u32 s9, $0xF7A;
	s5 =	simm.s32 @!p2 $0x0  }
0x1d: {  	s5 =	simm.s32 @p1 $0x1;
	p0 =	seq.s32 s7, s2  }
0x1e: {  	s7 =	smul.u32 @!p0 $0xF7A, s2;
	p2 =	seq.s32 @!p0 s5, $0x0  }
0x1f: {  	s9 =	smul.u32 $0xF7A, s1;
	s8 =	simm.s32 @!p0 $0x1BF5;
	p2 =	por !p2, p0  }
0x20: {  	[sflag:s8] =	ssyncset.s32 @!p0 $0xFFFFF086;
	s6 =	sadd.s32 @!p0 s3, s7;
	s7 =	simm.s32 @!p0 $0x108  }
0x21: {  	s3 =	sadd.s32 s3, s9;
	s6 =	sadd.s32 @!p0 $0x88, s6;
	s7 =	simm.s32 @p2 $0x1082  }
0x22: {  	[simem:s7], [sflag:s8] =	dma.local @!p0 [hbm:s6], $0xF7A  }
0x23: {  	s9 =	sor.u32 $0xD0000000, s2;
	s6 =	simm.s32 $0x108;
	_ =	swait.ge @!p0 [sflag:s8], $0x0  }
0x24: {  	s3 =	sadd.s32 $0x88, s3;
	s6 =	simm.s32 @!p1 $0x1082;
	[sflag:s4] =	ssyncset.s32 $0xFFFFF086  }
0x25: {  	[simem:s6], [sflag:s4] =	dma.local [hbm:s3], $0xF7A  }
0x26: {  	[smem:$0x3F9B] =	sst s1;
	(tag) =	ssettag s2;
	_ =	strace s9  }
0x27: {  	s1 =	sld [smem:$0x3FAB]  }
0x28: {  	s2 =	sld [smem:$0x3FAC]  }
0x29: {  	s4 =	sld [smem:$0x3FAE]  }
0x2a: {  	p0 =	seq.s32 s5, $0x0;
	s5 =	sld [smem:$0x3FAF]  }
0x2b: {  	s6 =	sld [smem:$0x3FB0]  }
0x2c: {  	s7 =	sld [smem:$0x3FB1]  }
0x2d: {  	s3 =	simm.s32 $0x108;
	s8 =	sld [smem:$0x3FB2]  }
0x2e: {  	s3 =	simm.s32 @!p0 $0x1082;
	s9 =	sld [smem:$0x3FB3]  }
0x2f: {  	lr =	sadd.s32 s0, s3;
	s0 =	sld [smem:$0x3FAA]  }
0x30: {  	s3 =	sld [smem:$0x3FAD]  }
0x31: {  	[smem:$0x3FB6] =	sst s10  }
0x32: {  	s10 =	sld [smem:$0x3FB4];
	_ =	sdelay $0x3  }
0x33: {  	p0 =	seq.s32 s10, $0x1;
	s10 =	sld [smem:$0x3FB6];
	_ =	sdelay $0x3  }
0x34: {  	[smem:$0x3FB6] =	sst s10  }
0x35: {  	s10 =	sld [smem:$0x3FB5];
	_ =	sdelay $0x3  }
0x36: {  	p1 =	seq.s32 s10, $0x1;
	s10 =	sld [smem:$0x3FB6];
	_ =	sdelay $0x3  }
0x37: {  	[smem:$0x3FB6] =	sst s10  }
0x38: {  	s10 =	sld [smem:$0x3FB7]  }
0x39: {  	_ = 	snop;
	(pc) =	sbr.ind lr, $3  }
0x3a: {  	_ = 	snop  }
0x3b: {  	_ = 	snop  }
0x3c: {  	p2 =	seq.s32 s10, $0x1;
	s10 =	sld [smem:$0x3FB6]  }
0x3d: {  	_ =	shalt  }
0x3e: {  	_ =	shalt  }
0x3f: {  	_ =	shalt  }
0x40: {  	_ =	shalt  }
0x41: {  	_ =	shalt  }
0x42: {  	_ =	shalt  }
0x43: {  	_ =	shalt  }
0x44: {  	_ =	shalt  }
0x45: {  	_ =	shalt  }
0x46: {  	_ =	shalt  }
0x47: {  	_ =	shalt  }
0x48: {  	_ =	shalt  }
0x49: {  	_ =	shalt  }
0x4a: {  	_ =	shalt  }
0x4b: {  	_ =	shalt  }
0x4c: {  	_ =	shalt  }
0x4d: {  	_ =	shalt  }
0x4e: {  	_ =	shalt  }
0x4f: {  	_ =	shalt  }
0x50: {  	_ =	shalt  }
0x51: {  	_ =	shalt  }
0x52: {  	_ =	shalt  }
0x53: {  	_ =	shalt  }
0x54: {  	_ =	shalt  }
0x55: {  	_ =	shalt  }
0x56: {  	_ =	shalt  }
0x57: {  	_ =	shalt  }
0x58: {  	_ =	shalt  }
0x59: {  	_ =	shalt  }
0x5a: {  	_ =	shalt  }
0x5b: {  	_ =	shalt  }
0x5c: {  	_ =	shalt  }
0x5d: {  	_ =	shalt  }
0x5e: {  	_ =	shalt  }
0x5f: {  	_ =	shalt  }
0x60: {  	_ =	shalt  }
0x61: {  	_ =	shalt  }
0x62: {  	_ =	shalt  }
0x63: {  	_ =	shalt  }
0x64: {  	_ =	shalt  }
0x65: {  	_ =	shalt  }
0x66: {  	_ =	shalt  }
0x67: {  	_ =	shalt  }
0x68: {  	_ =	shalt  }
0x69: {  	_ =	shalt  }
0x6a: {  	_ =	shalt  }
0x6b: {  	_ =	shalt  }
0x6c: {  	_ =	shalt  }
0x6d: {  	_ =	shalt  }
0x6e: {  	_ =	shalt  }
0x6f: {  	_ =	shalt  }
0x70: {  	_ =	shalt  }
0x71: {  	_ =	shalt  }
0x72: {  	_ =	shalt  }
0x73: {  	_ =	shalt  }
0x74: {  	_ =	shalt  }
0x75: {  	_ =	shalt  }
0x76: {  	_ =	shalt  }
0x77: {  	_ =	shalt  }
0x78: {  	_ =	shalt  }
0x79: {  	_ =	shalt  }
0x7a: {  	_ =	shalt  }
0x7b: {  	_ =	shalt  }
0x7c: {  	_ =	shalt  }
0x7d: {  	_ =	shalt  }
0x7e: {  	_ =	shalt  }
0x7f: {  	_ =	shalt  }
0x80: {  	_ =	shalt  }
0x81: {  	_ =	shalt  }
0x82: {  	_ =	shalt  }
0x83: {  	_ =	shalt  }
0x84: {  	_ =	shalt  }
0x85: {  	_ =	shalt  }
0x86: {  	_ =	shalt  }
0x87: {  	_ =	shalt  }
.Lfunc_end0:
.L_simem_size_0:
called_computation_lowered:
.L_overlay_start_0:
0x88: {  	s2 =	sld [smem:$0x3FD9]  }
0x89: {  	s3 =	sld [smem:$0x3FFE];
	_ =	sdelay $0x1  }
0x8a: {  	s1 =	srdreg.scid  }
0x8b: {  	s0 =	sand.u32 $0x1, s1  }
0x8c: {  	s16 =	sshll.u32 s0, $0xA;
	s2 =	sadd.s32 s3, s2  }
0x8d: {  	s2 =	sadd.s32 s2, s16  }
0x8e: {  	[smem:$0x3FC2] =	sst s2  }
0x8f: {  	_ = 	snop  }
0x90: {  	(tm) =	ssettm $0x1  }
0x91: {  	s17 =	sld [smem:$0x3FFB];
	_ =	sdelay $0x3  }
0x92: {  	_ =	strace s17  }
0x93: {  	s2 =	sld [smem:$0x3FFC];
	_ =	sdelay $0x3  }
0x94: {  	_ =	strace s2  }
0x95: {  	s2 =	sld [smem:$0x3FFD];
	_ =	sdelay $0x3  }
0x96: {  	_ =	strace s2  }
0x97: {  	_ =	strace $0x8FFFFFFF  }
0x98: {  	s18 =	sld [smem:$0x3FDB];
	_ =	sdelay $0x1  }
0x99: {  	s19 =	simm.s32 $_scs_section_size  }
0x9a: {  	s4 =	simm.s32 $_size__tile_overlayer_lowered;
	s5 =	simm.s32 $_tile_overlayer_lowered  }
0x9b: {  	s22 =	simm.s32 $0x1BFF;
	s21 =	sshll.u32 s5, $0x1;
	s2 =	sadd.s32 s19, s18  }
0x9c: {  	s6 =	simm.s32 $0x0;
	s20 =	sshll.u32 s4, $0x1;
	s4 =	sadd.s32 s21, s2  }
0x9d: {  	[timem:s6], [sflag:s22] =	dma.local [hbm:s4], s20  }
0x9e: {  	_ =	swait.ge [sflag:s22], s20  }
0x9f: {  	s3 =	ssub.s32 $0x0, s20;
	[sflag:s22] =	ssyncset.done $0x0  }
0xa0: {  	[sflag:s22] =	ssyncadd.s32 s3;
	_ =	sdelay $0x1  }
0xa1: {  	s23 =	simm.s32 $0x1B8B  }
0xa2: {  	_ =	swait.ge [sflag:s23], $0x1  }
0xa3: {  	[sflag:s23] =	ssyncset.done $0x0  }
0xa4: {  	s25 =	simm.s32 $0x1B8E;
	s24 =	sld [smem:$0x3FFE];
	[sflag:s23] =	ssyncadd.s32 $0xFFFFFFFF  }
0xa5: {  	s26 =	simm.s32 $execute0_lowered;
	[smem:$0x3FD2] =	sst s25  }
0xa6: {  	s4 =	sshll.u32 s26, $0x1;
	_ =	strace $0x80000046;
	[dreg:$0x1] =	wrdreg $0xFFFFFFFF  }
0xa7: {  	s28 =	simm.s32 $_size_execute0_lowered;
	s2 =	sadd.s32 s2, s4;
	[dreg:$0x0] =	wrdreg $0x0  }
0xa8: {  	s4 =	sshll.u32 s28, $0x1;
	[dreg:$0x2] =	wrdreg s2  }
0xa9: {  	[dreg:$0x3] =	wrdreg s4  }
0xaa: {  	[dreg:$0x4] =	wrdreg $0xC0  }
0xab: {  	_ =	task [dreg:s6], $0x5FFFF  }
0xac: {  	[dreg:$0x1] =	wrdreg $0xFFFFFFFF  }
0xad: {  	[dreg:$0x0] =	wrdreg $0x60  }
0xae: {  	[dreg:$0x2] =	wrdreg s24  }
0xaf: {  	[dreg:$0x3] =	wrdreg $0x20200  }
0xb0: {  	[dreg:$0x4] =	wrdreg $0x9  }
0xb1: {  	_ =	task.clear_ibuf [dreg:s6], $0x5FFFF;
	_ =	strace $0x90000046  }
0xb2: {  	s29 =	simm.s32 $0x9;
	_ =	strace $0x80000048  }
0xb3: {  	_ =	swait.ge [sflag:s29], $0x1  }
0xb4: {  	[sflag:s29] =	ssyncadd.s32 $0xFFFFFFFF  }
0xb5: {  	_ =	strace $0x90000048  }
0xb6: {  	_ =	sfence  }
0xb7: {  	s30 =	sld [smem:$0x0];
	_ =	sdelay $0x2  }
0xb8: {  	s31 =	sshll.u32 s1, $0xD;
	s1 =	sshrl.u32 s1, $0x2  }
0xb9: {  	s3 =	sand.u32 $0x4000, s31;
	s1 =	sadd.s32 s1, s30  }
0xba: {  	s0 =	sor.u32 s3, s0;
	s1 =	sshll.u32 s1, $0x11  }
0xbb: {  	s0 =	sor.u32 s1, s0  }
0xbc: {  	s0 =	sadd.s32 $0x8F2B, s0  }
0xbd: {  	[sflag:s0] =	ssyncadd.remote.s32 $0x1  }
0xbe: {  	_ =	sfence.sel $0xFFFF  }
0xbf: {  	[dreg:$0x0] =	wrdreg $0xFFFFFFFF;
	(pc) =	sbr.abs _section_cstart, $3  }
0xc0: {  	[dreg:$0x1] =	wrdreg $0xFFFFFFFF  }
0xc1: {  	_ =	task.clear_ibuf [dreg:s6], $0x2FFFF;
	_ =	strace $0x9FFFFFFF  }
0xc2: {  	(tm) =	ssettm $0x7FFFFFFF  }
0xc3: {  	_ =	shalt  }
tec
execute0_lowered:
.L_overlay_start_1:
0x0: {  	(tag) =	ssettag $0x1  }
0x1: {  	s0 =	srdreg.scid;
	s1 =	rddreg [dreg:$0x0]  }
0x2: {  	s10 =	stileid.u32;
	s2 =	rddreg [dreg:$0x1]  }
0x3: {  	s3 =	simm.s32 $0x0;
	s28 =	simm.s32 $0x2;
	s29 =	simm.s32 $0x5  }
0x4: {  	s30 =	simm.s32 $0x3;
	s31 =	simm.s32 $0x6;
	s5 =	smul.u32 $0xC80, s10  }
0x5: {  	s0 =	sand.u32 $0x1, s0;
	[smem:$0x7FF] =	sst s3;
	s18 =	smul.u32 $0x61A8, s10  }
0x6: {  	s19 =	sadd.s32 $0x1A00, s1;
	s4 =	smul.u32 $0xC800, s0;
	s6 =	sshll.u32 s0, $0x4  }
0x7: {  	_ =	strace $0x80000047;
	s13 =	ssub.s32 $0x2, s0;
	s0 =	smul.u32 $0x61A80, s0  }
0x8: {  	s6 =	sor.u32 s10, s6;
	s14 =	sshrl.u32 s13, $0x1;
	s4 =	sadd.s32 s5, s4  }
0x9: {  	s12 =	smul.u32 $0x61A8, s6;
	s9 =	ssub.s32 s13, s14;
	s0 =	sadd.s32 s18, s0  }
0xa: {  	s4 =	sshrl.u32 s4, $0x3;
	s24 =	sadd.s32 $0x1F40, s0;
	s25 =	sadd.s32 $0x1B58, s0  }
0xb: {  	s1 =	sadd.s32 s4, s1;
	s7 =	sshrl.u32 s12, $0x3;
	s8 =	sadd.s32 $0x3E8, s12  }
0xc: {  	s16 =	sadd.s32 $0xBB8, s12;
	s13 =	sadd.s32 $0x1388, s12;
	s21 =	sadd.s32 $0x59D8, s12  }
0xd: {  	s26 =	sshrl.u32 s25, $0x3;
	s25 =	simm.s32 $0xFA0;
	s4 =	sadd.s32 s19, s7  }
0xe: {  	s15 =	sshrl.u32 s8, $0x3;
	s1 =	sadd.s32 $0x1A200, s1;
	s8 =	smax.u32 s9, $0x1  }
0xf: {  	s17 =	sshrl.u32 s16, $0x3;
	s20 =	sshrl.u32 s13, $0x3;
	s22 =	sshrl.u32 s21, $0x3  }
0x10: {  	s18 =	sadd.s32 s26, s19;
	s26 =	simm.s32 $0xBB8;
	s6 =	sadd.s32 s19, s15  }
0x11: {  	[dreg:$0x4] =	wrdreg s1;
	s9 =	sadd.s32 $0xFA, s4;
	s10 =	sadd.s32 s19, s17  }
0x12: {  	s11 =	sadd.s32 $0x1F4, s4;
	s12 =	sadd.s32 s19, s20;
	s13 =	sadd.s32 $0xABE, s4  }
0x13: {  	s14 =	sadd.s32 s19, s22;
	s15 =	sadd.s32 $0xBB8, s4;
	s1 =	sshrl.u32 s24, $0x3  }
0x14: {  	s20 =	simm.s32 $0x3E8;
	s22 =	simm.s32 $0x7;
	s24 =	simm.s32 $0x1  }
0x15: {  	[dreg:$0x3] =	wrdreg s6;
	s6 =	sadd.s32 s5, s2;
	s5 =	sadd.s32 $0x2328, s0  }
0x16: {  	s0 =	sadd.s32 $0x1770, s0;
	s17 =	sadd.s32 s1, s19;
	s23 =	sshrl.u32 s5, $0x3  }
0x17: {  	s1 =	simm.s32 $0x4;
	s0 =	sshrl.u32 s0, $0x3;
	s16 =	sadd.s32 s23, s19  }
0x18: {  	v0 =	vimm.f32 $1.000000000e+00;
	v1 =	vimm.f32 $0.0e+00;
	s19 =	sadd.s32 s0, s19;
	s23 =	simm.s32 $0x7D0;
	s0 =	simm.s32 $0x0  }
.LBB2_1:
0x19: {  	[tilespmem:s3], [sflag:$0x1] =	stream.linear.gather [hbm4b:s4+s3], $0x3E8, $0x38;
	[tilespmem:$0x2CA0] =	vst v63  }
0x1a: {  	s5 =	rddreg [dreg:$0x3]  }
0x1b: {  	[tilespmem:s20], [sflag:$0x2] =	stream.linear.gather [hbm4b:s5+s3], $0x3E8, $0x38;
	[tilespmem:$0x2CA0] =	vst v63  }
0x1c: {  	s5 =	simm.s32 $0x0  }
.LBB2_2:
0x1d: {  	p0 =	sne.s32 s5, $0xFC0  }
.Ltmp0:
0x1e: {  	_ = 	snop;
	(pc) =	sbr.rel @p0 .LBB2_2-.Ltmp0, $3  }
0x1f: {  	_ =	sdelay $0x1  }
0x20: {  	s21 =	sshra.s32 s5, $0x2  }
0x21: {  	s5 =	sadd.s32 $0x40, s5;
	[tilespmem:s21+$0xFA0] =	vst v0  }
0x22: {  	s21 =	simm.s32 $0x40;
	s5 =	simm.s32 $0x0  }
.LBB2_4:
0x23: {  	p0 =	sne.s32 s21, $0x31C0;
	[tilespmem:s5+$0x13A0] =	vst v1;
	s5 =	smov.u32 s21;
	s21 =	sadd.s32 $0x40, s21  }
.Ltmp1:
0x24: {  	(pc) =	sbr.rel @p0 .LBB2_4-.Ltmp1, $2  }
0x25: {  	_ =	sdelay $0x2  }
0x26: {  	s5 =	sshra.s32 s5, $0x2  }
0x27: {  	[tilespmem:s5+$0x13A0] =	vst v1;
	s7 =	simm.s32 $0x13A0  }
0x28: {  	[spmem:s6] =	stream.linear.scatter [tilespmem:s7], [sflag:$0x7], $0xC80, $0x38;
	[tilespmem:$0x2CA0] =	vst v63  }
0x29: {  	_ =	swait.ge [sflag:s22], $0xC80  }
0x2a: {  	[sflag:s22] =	ssyncset.done $0x0  }
0x2b: {  	[sflag:s22] =	ssyncadd.s32 $0xFFFFF380  }
0x2c: {  	s21 =	simm.s32 $0x0;
	[bflag:$0x0] =	sbarrier.arrive $0xFFFF  }
0x2d: {  	[tilespmem:s23], [sflag:$0x3] =	stream.linear.gather [hbm4b:s9+s21], $0x3E8, $0x38;
	[tilespmem:$0x2CA0] =	vst v63  }
0x2e: {  	_ =	swait.ge [sflag:s24], $0x3E8  }
0x2f: {  	[sflag:s24] =	ssyncset.done $0x0  }
0x30: {  	[sflag:s24] =	ssyncadd.s32 $0xFFFFFC18  }
0x31: {  	[spmem:s2] =	stream.indirect.scatter.add.f32 [tilespmem:s25], [sflag:$0x5], $0x1, s21, s20, $0xb8;
	[tilespmem:$0x2CA0] =	vst v63  }
0x32: {  	_ = 	snop  }
0x33: {  	[tilespmem:s26], [sflag:$0x4] =	stream.linear.gather [hbm4b:s10+s21], $0x3E8, $0x38;
	[tilespmem:$0x2CA0] =	vst v63  }
0x34: {  	_ =	swait.ge [sflag:s28], $0x3E8  }
0x35: {  	[sflag:s28] =	ssyncset.done $0x0  }
0x36: {  	[sflag:s28] =	ssyncadd.s32 $0xFFFFFC18  }
0x37: {  	[spmem:s2] =	stream.indirect.scatter.add.f32 [tilespmem:s25], [sflag:$0x6], $0x1, s20, s20, $0xb8;
	[tilespmem:$0x2CA0] =	vst v63  }
0x38: {  	_ =	swait.ge [sflag:s29], $0x3E8  }
0x39: {  	[sflag:s29] =	ssyncset.done $0x0  }
0x3a: {  	[sflag:s29] =	ssyncadd.s32 $0xFFFFFC18  }
0x3b: {  	[tilespmem:s21], [sflag:$0x1] =	stream.linear.gather [hbm4b:s11+s21], $0x3E8, $0x38;
	[tilespmem:$0x2CA0] =	vst v63  }
0x3c: {  	_ =	swait.ge [sflag:s30], $0x3E8  }
0x3d: {  	[sflag:s30] =	ssyncset.done $0x0  }
0x3e: {  	[sflag:s30] =	ssyncadd.s32 $0xFFFFFC18  }
0x3f: {  	[spmem:s2] =	stream.indirect.scatter.add.f32 [tilespmem:s25], [sflag:$0x5], $0x1, s23, s20, $0xb8;
	[tilespmem:$0x2CA0] =	vst v63  }
0x40: {  	_ =	swait.ge [sflag:s31], $0x3E8  }
0x41: {  	[sflag:s31] =	ssyncset.done $0x0  }
0x42: {  	[sflag:s31] =	ssyncadd.s32 $0xFFFFFC18  }
0x43: {  	[tilespmem:s20], [sflag:$0x2] =	stream.linear.gather [hbm4b:s12+s21], $0x3E8, $0x38;
	[tilespmem:$0x2CA0] =	vst v63  }
0x44: {  	_ =	swait.ge [sflag:s1], $0x3E8  }
0x45: {  	[sflag:s1] =	ssyncset.done $0x0  }
0x46: {  	[sflag:s1] =	ssyncadd.s32 $0xFFFFFC18  }
0x47: {  	[spmem:s2] =	stream.indirect.scatter.add.f32 [tilespmem:s25], [sflag:$0x6], $0x1, s26, s20, $0xb8;
	[tilespmem:$0x2CA0] =	vst v63  }
0x48: {  	_ =	swait.ge [sflag:s29], $0x3E8  }
0x49: {  	[sflag:s29] =	ssyncset.done $0x0  }
0x4a: {  	s7 =	sadd.s32 $0x0, s19;
	[sflag:s29] =	ssyncadd.s32 $0xFFFFFC18  }
0x4b: {  	[tilespmem:s23], [sflag:$0x3] =	stream.linear.gather [hbm4b:s7+s3], $0x3E8, $0x38;
	[tilespmem:$0x2CA0] =	vst v63  }
0x4c: {  	_ =	swait.ge [sflag:s24], $0x3E8  }
0x4d: {  	[sflag:s24] =	ssyncset.done $0x0  }
0x4e: {  	[sflag:s24] =	ssyncadd.s32 $0xFFFFFC18  }
0x4f: {  	[spmem:s2] =	stream.indirect.scatter.add.f32 [tilespmem:s25], [sflag:$0x5], $0x1, s3, s20, $0xb8;
	[tilespmem:$0x2CA0] =	vst v63  }
0x50: {  	_ =	swait.ge [sflag:s31], $0x3E8  }
0x51: {  	[sflag:s31] =	ssyncset.done $0x0  }
0x52: {  	s21 =	sadd.s32 $0x0, s18;
	[sflag:s31] =	ssyncadd.s32 $0xFFFFFC18  }
0x53: {  	[tilespmem:s26], [sflag:$0x4] =	stream.linear.gather [hbm4b:s21+s3], $0x3E8, $0x38;
	[tilespmem:$0x2CA0] =	vst v63  }
0x54: {  	_ =	swait.ge [sflag:s28], $0x3E8  }
0x55: {  	[sflag:s28] =	ssyncset.done $0x0  }
0x56: {  	[sflag:s28] =	ssyncadd.s32 $0xFFFFFC18  }
0x57: {  	[spmem:s2] =	stream.indirect.scatter.add.f32 [tilespmem:s25], [sflag:$0x6], $0x1, s20, s20, $0xb8;
	[tilespmem:$0x2CA0] =	vst v63  }
0x58: {  	_ =	swait.ge [sflag:s29], $0x3E8  }
0x59: {  	[sflag:s29] =	ssyncset.done $0x0  }
0x5a: {  	s7 =	sadd.s32 $0x0, s17;
	[sflag:s29] =	ssyncadd.s32 $0xFFFFFC18  }
0x5b: {  	[tilespmem:s3], [sflag:$0x1] =	stream.linear.gather [hbm4b:s7+s3], $0x3E8, $0x38;
	[tilespmem:$0x2CA0] =	vst v63  }
0x5c: {  	_ =	swait.ge [sflag:s30], $0x3E8  }
0x5d: {  	[sflag:s30] =	ssyncset.done $0x0  }
0x5e: {  	[sflag:s30] =	ssyncadd.s32 $0xFFFFFC18  }
0x5f: {  	[spmem:s2] =	stream.indirect.scatter.add.f32 [tilespmem:s25], [sflag:$0x5], $0x1, s23, s20, $0xb8;
	[tilespmem:$0x2CA0] =	vst v63  }
0x60: {  	_ =	swait.ge [sflag:s31], $0x3E8  }
0x61: {  	[sflag:s31] =	ssyncset.done $0x0  }
0x62: {  	s21 =	sadd.s32 $0x0, s16;
	[sflag:s31] =	ssyncadd.s32 $0xFFFFFC18  }
0x63: {  	[tilespmem:s20], [sflag:$0x2] =	stream.linear.gather [hbm4b:s21+s3], $0x3E8, $0x38;
	[tilespmem:$0x2CA0] =	vst v63  }
0x64: {  	_ =	swait.ge [sflag:s1], $0x3E8  }
0x65: {  	[sflag:s1] =	ssyncset.done $0x0  }
0x66: {  	s21 =	simm.s32 $0x1F4;
	[sflag:s1] =	ssyncadd.s32 $0xFFFFFC18  }
.LBB2_6:
0x67: {  	[spmem:s2] =	stream.indirect.scatter.add.f32 [tilespmem:s25], [sflag:$0x6], $0x1, s26, s20, $0xb8;
	[tilespmem:$0x2CA0] =	vst v63  }
0x68: {  	s5 =	smov.u32 s21  }
0x69: {  	p0 =	sne.s32 s21, $0x5DC;
	s21 =	sadd.s32 $0x1F4, s21;
	_ =	swait.ge [sflag:s29], $0x3E8  }
0x6a: {  	[sflag:s29] =	ssyncset.done $0x0  }
0x6b: {  	s7 =	sadd.s32 s5, s19;
	[sflag:s29] =	ssyncadd.s32 $0xFFFFFC18  }
0x6c: {  	[tilespmem:s23], [sflag:$0x3] =	stream.linear.gather [hbm4b:s7+s3], $0x3E8, $0x38;
	[tilespmem:$0x2CA0] =	vst v63  }
0x6d: {  	_ =	swait.ge [sflag:s24], $0x3E8  }
0x6e: {  	[sflag:s24] =	ssyncset.done $0x0  }
0x6f: {  	[sflag:s24] =	ssyncadd.s32 $0xFFFFFC18  }
0x70: {  	[spmem:s2] =	stream.indirect.scatter.add.f32 [tilespmem:s25], [sflag:$0x5], $0x1, s3, s20, $0xb8;
	[tilespmem:$0x2CA0] =	vst v63  }
0x71: {  	_ =	swait.ge [sflag:s31], $0x3E8  }
0x72: {  	[sflag:s31] =	ssyncset.done $0x0  }
0x73: {  	s7 =	sadd.s32 s5, s18;
	[sflag:s31] =	ssyncadd.s32 $0xFFFFFC18  }
0x74: {  	[tilespmem:s26], [sflag:$0x4] =	stream.linear.gather [hbm4b:s7+s3], $0x3E8, $0x38;
	[tilespmem:$0x2CA0] =	vst v63  }
0x75: {  	_ =	swait.ge [sflag:s28], $0x3E8  }
0x76: {  	[sflag:s28] =	ssyncset.done $0x0  }
0x77: {  	[sflag:s28] =	ssyncadd.s32 $0xFFFFFC18  }
0x78: {  	[spmem:s2] =	stream.indirect.scatter.add.f32 [tilespmem:s25], [sflag:$0x6], $0x1, s20, s20, $0xb8;
	[tilespmem:$0x2CA0] =	vst v63  }
0x79: {  	_ =	swait.ge [sflag:s29], $0x3E8  }
0x7a: {  	[sflag:s29] =	ssyncset.done $0x0  }
0x7b: {  	s7 =	sadd.s32 s5, s17;
	[sflag:s29] =	ssyncadd.s32 $0xFFFFFC18  }
0x7c: {  	[tilespmem:s3], [sflag:$0x1] =	stream.linear.gather [hbm4b:s7+s3], $0x3E8, $0x38;
	[tilespmem:$0x2CA0] =	vst v63  }
0x7d: {  	_ =	swait.ge [sflag:s30], $0x3E8  }
0x7e: {  	[sflag:s30] =	ssyncset.done $0x0  }
0x7f: {  	[sflag:s30] =	ssyncadd.s32 $0xFFFFFC18  }
0x80: {  	[spmem:s2] =	stream.indirect.scatter.add.f32 [tilespmem:s25], [sflag:$0x5], $0x1, s23, s20, $0xb8;
	[tilespmem:$0x2CA0] =	vst v63  }
0x81: {  	_ =	swait.ge [sflag:s31], $0x3E8  }
0x82: {  	[sflag:s31] =	ssyncset.done $0x0  }
.Ltmp2:
0x83: {  	s5 =	sadd.s32 s5, s16;
	[sflag:s31] =	ssyncadd.s32 $0xFFFFFC18;
	(pc) =	sbr.rel @p0 .LBB2_6-.Ltmp2, $4  }
0x84: {  	[tilespmem:s20], [sflag:$0x2] =	stream.linear.gather [hbm4b:s5+s3], $0x3E8, $0x38;
	[tilespmem:$0x2CA0] =	vst v63  }
0x85: {  	_ =	swait.ge [sflag:s1], $0x3E8  }
0x86: {  	[sflag:s1] =	ssyncset.done $0x0  }
0x87: {  	[sflag:s1] =	ssyncadd.s32 $0xFFFFFC18  }
0x88: {  	[spmem:s2] =	stream.indirect.scatter.add.f32 [tilespmem:s25], [sflag:$0x6], $0x1, s26, s20, $0xb8;
	[tilespmem:$0x2CA0] =	vst v63  }
0x89: {  	_ =	swait.ge [sflag:s29], $0x3E8  }
0x8a: {  	[sflag:s29] =	ssyncset.done $0x0  }
0x8b: {  	[sflag:s29] =	ssyncadd.s32 $0xFFFFFC18  }
0x8c: {  	[tilespmem:s23], [sflag:$0x3] =	stream.linear.gather [hbm4b:s13+s3], $0x3E8, $0x38;
	[tilespmem:$0x2CA0] =	vst v63  }
0x8d: {  	_ =	swait.ge [sflag:s24], $0x3E8  }
0x8e: {  	[sflag:s24] =	ssyncset.done $0x0  }
0x8f: {  	[sflag:s24] =	ssyncadd.s32 $0xFFFFFC18  }
0x90: {  	[spmem:s2] =	stream.indirect.scatter.add.f32 [tilespmem:s25], [sflag:$0x5], $0x1, s3, s20, $0xb8;
	[tilespmem:$0x2CA0] =	vst v63  }
0x91: {  	_ =	swait.ge [sflag:s31], $0x3E8  }
0x92: {  	[sflag:s31] =	ssyncset.done $0x0  }
0x93: {  	[sflag:s31] =	ssyncadd.s32 $0xFFFFFC18  }
0x94: {  	[tilespmem:s26], [sflag:$0x4] =	stream.linear.gather [hbm4b:s14+s3], $0x3E8, $0x38;
	[tilespmem:$0x2CA0] =	vst v63  }
0x95: {  	_ =	swait.ge [sflag:s28], $0x3E8  }
0x96: {  	[sflag:s28] =	ssyncset.done $0x0  }
0x97: {  	[sflag:s28] =	ssyncadd.s32 $0xFFFFFC18  }
0x98: {  	[spmem:s2] =	stream.indirect.scatter.add.f32 [tilespmem:s25], [sflag:$0x6], $0x1, s20, s20, $0xb8;
	[tilespmem:$0x2CA0] =	vst v63  }
0x99: {  	_ =	swait.ge [sflag:s29], $0x3E8  }
0x9a: {  	[sflag:s29] =	ssyncset.done $0x0  }
0x9b: {  	[sflag:s29] =	ssyncadd.s32 $0xFFFFFC18  }
0x9c: {  	[tilespmem:s3], [sflag:$0x1] =	stream.linear.gather [hbm4b:s15+s3], $0x3E8, $0x38;
	[tilespmem:$0x2CA0] =	vst v63  }
0x9d: {  	_ =	swait.ge [sflag:s30], $0x3E8  }
0x9e: {  	[sflag:s30] =	ssyncset.done $0x0  }
0x9f: {  	[sflag:s30] =	ssyncadd.s32 $0xFFFFFC18  }
0xa0: {  	[spmem:s2] =	stream.indirect.scatter.add.f32 [tilespmem:s25], [sflag:$0x5], $0x1, s23, s20, $0xb8;
	[tilespmem:$0x2CA0] =	vst v63  }
0xa1: {  	_ =	swait.ge [sflag:s31], $0x3E8  }
0xa2: {  	[sflag:s31] =	ssyncset.done $0x0  }
0xa3: {  	[sflag:s31] =	ssyncadd.s32 $0xFFFFFC18  }
0xa4: {  	_ =	swait.ge [sflag:s1], $0x3E8  }
0xa5: {  	[sflag:s1] =	ssyncset.done $0x0  }
0xa6: {  	[sflag:s1] =	ssyncadd.s32 $0xFFFFFC18  }
0xa7: {  	[spmem:s2] =	stream.indirect.scatter.add.f32 [tilespmem:s25], [sflag:$0x6], $0x1, s26, s20, $0xb8;
	[tilespmem:$0x2CA0] =	vst v63  }
0xa8: {  	_ =	swait.ge [sflag:s29], $0x3E8  }
0xa9: {  	[sflag:s29] =	ssyncset.done $0x0  }
0xaa: {  	[sflag:s29] =	ssyncadd.s32 $0xFFFFFC18  }
0xab: {  	_ =	swait.ge [sflag:s24], $0x3E8  }
0xac: {  	[sflag:s24] =	ssyncset.done $0x0  }
0xad: {  	[sflag:s24] =	ssyncadd.s32 $0xFFFFFC18  }
0xae: {  	[spmem:s2] =	stream.indirect.scatter.add.f32 [tilespmem:s25], [sflag:$0x5], $0x1, s3, s20, $0xb8;
	[tilespmem:$0x2CA0] =	vst v63  }
0xaf: {  	_ =	swait.ge [sflag:s29], $0x3E8  }
0xb0: {  	[sflag:s29] =	ssyncset.done $0x0  }
0xb1: {  	[sflag:s29] =	ssyncadd.s32 $0xFFFFFC18  }
0xb2: {  	_ =	swait.ge [sflag:s31], $0x3E8  }
0xb3: {  	s5 =	stileid.u32;
	[sflag:s31] =	ssyncset.done $0x0  }
0xb4: {  	s7 =	sshrl.u32 s6, $0x3;
	s0 =	sadd.s32 $0x1, s0;
	[sflag:s31] =	ssyncadd.s32 $0xFFFFFC18  }
0xb5: {  	s5 =	sshll.u32 s5, $0x6;
	p0 =	sne.s32 s0, s8;
	[bflag:$0x0] =	sbarrier.arrive $0xFFFF  }
.Ltmp3:
0xb6: {  	s5 =	sor.u32 $0x1C07, s5;
	s21 =	rddreg [dreg:$0x4];
	(pc) =	sbr.rel @p0 .LBB2_1-.Ltmp3, $4  }
0xb7: {  	[hbm:s21], [sflag:s5] =	dma.local [spmem:s7], $0x190  }
0xb8: {  	_ =	swait.ge [sflag:s22], $0x190  }
0xb9: {  	[sflag:s22] =	ssyncset.done $0x0  }
0xba: {  	[sflag:s22] =	ssyncadd.s32 $0xFFFFFE70  }
0xbb: {  	_ =	sfence.sel $0x180000  }
0xbc: {  	[bflag:$0x0] =	sbarrier.arrive $0xFFFF  }
0xbd: {  	_ =	strace $0x90000047  }
0xbe: {  	s0 =	stileid.u32;
	[bflag:$0x2] =	sbarrier.arrive $0xFFFF  }
0xbf: {  	p0 =	sne.s32 s0, $0x0;
	s0 =	rddreg [dreg:$0x2]  }
0xc0: {  	s0 =	sadd.s32 @!p0 $0x100000, s0  }
0xc1: {  	[sflag:s0] =	ssyncadd.tile.s32 @!p0 $0x1;
	_ =	shalt  }
.Lfunc_end2:
_tile_overlayer_lowered:
.L_overlay_start_2:
0xc2: {  	(tag) =	ssettag $0x2  }
0xc3: {  	s0 =	rddreg [dreg:$0x0];
	s2 =	stileid.u32  }
0xc4: {  	s1 =	rddreg [dreg:$0x1];
	p0 =	sne.s32 s2, $0x0  }
0xc5: {  	s3 =	rddreg [dreg:$0x2];
	[bflag:$0x3] =	sbarrier.arrive $0xFFFF;
	s2 =	simm.s32 @!p0 $0x1C07  }
0xc6: {  	[timem:s3], [sflag:s2] =	dma.local @!p0 [hbm:s0], s1  }
0xc7: {  	s0 =	simm.s32 @!p0 $0x7  }
0xc8: {  	_ =	swait.ge @!p0 [sflag:s0], s1  }
0xc9: {  	s1 =	ssub.s32 @!p0 $0x0, s1;
	[sflag:s0] =	ssyncset.done @!p0 $0x0  }
0xca: {  	[sflag:s0] =	ssyncadd.s32 @!p0 s1  }
0xcb: {  	[bflag:$0x3] =	sbarrier.arrive $0xFFFF  }
0xcc: {  	_ =	shalt  }

</sc_bundles>
